<compile_context>
chip_gen: v7x
topology: tpu7x:2x2x1
jax: 0.10.2.dev20260603
libtpu: 0.0.44.dev20260713+nightly
codegen_flags: <defaults>
</compile_context>

<pallas_src>
import functools

import jax
import jax.numpy as jnp
from jax import lax
from jax.experimental import pallas as pl
from jax.experimental.pallas import tpu as pltpu
from jax.experimental.pallas import tpu_sc as plsc

G = 64
N = 6400000
NW = 32
PER_W = N // NW
CHUNK = 40000
NCHUNK = PER_W // CHUNK
VECS = CHUNK // 16

_MESH = plsc.VectorSubcoreMesh(core_axis_name="c", subcore_axis_name="s")


def _wid():
    return lax.axis_index("s") * 2 + lax.axis_index("c")


@functools.partial(
    pl.kernel,
    mesh=_MESH,
    compiler_params=pltpu.CompilerParams(needs_layout_passes=False),
    out_type=[
        jax.ShapeDtypeStruct((NW, 1, G * 16), jnp.float32),
        jax.ShapeDtypeStruct((NW, 1, G * 16), jnp.float32),
        jax.ShapeDtypeStruct((NW, 1, G * 16), jnp.float32),
    ],
    scratch_types=[
        pltpu.VMEM((CHUNK,), jnp.float32),
        pltpu.VMEM((CHUNK,), jnp.int32),
        pltpu.VMEM((G * 16,), jnp.float32),
        pltpu.VMEM((G * 16,), jnp.float32),
        pltpu.VMEM((G * 16,), jnp.float32),
    ],
)
def _sc_pass1(pr_hbm, vr_hbm, cnt_hbm, min_hbm, max_hbm,
              prbuf, vrbuf, cnt_tab, min_tab, max_tab):
    wid = _wid()
    base = wid * PER_W
    inf = jnp.full((16,), jnp.inf, jnp.float32)
    zero = jnp.zeros((16,), jnp.float32)
    for g in range(G):
        cnt_tab[pl.ds(g * 16, 16)] = zero
        min_tab[pl.ds(g * 16, 16)] = inf
        max_tab[pl.ds(g * 16, 16)] = -inf
    lanes = lax.iota(jnp.int32, 16)
    ones = jnp.ones((16,), jnp.float32)

    def chunk_body(c, _):
        off = base + c * CHUNK
        pltpu.sync_copy(pr_hbm.at[pl.ds(off, CHUNK)], prbuf)
        pltpu.sync_copy(vr_hbm.at[pl.ds(off, CHUNK)], vrbuf)

        def vec_body(i, _):
            x = prbuf[pl.ds(i * 16, 16)]
            idx = vrbuf[pl.ds(i * 16, 16)] * 16 + lanes
            plsc.addupdate_scatter(cnt_tab, [idx], ones)
            cur_mn = plsc.load_gather(min_tab, [idx])
            plsc.store_scatter(min_tab, [idx], jnp.minimum(cur_mn, x))
            cur_mx = plsc.load_gather(max_tab, [idx])
            plsc.store_scatter(max_tab, [idx], jnp.maximum(cur_mx, x))
            return 0

        lax.fori_loop(0, VECS, vec_body, 0)
        return 0

    lax.fori_loop(0, NCHUNK, chunk_body, 0)
    pltpu.sync_copy(cnt_tab, cnt_hbm.at[wid, 0])
    pltpu.sync_copy(min_tab, min_hbm.at[wid, 0])
    pltpu.sync_copy(max_tab, max_hbm.at[wid, 0])


@functools.partial(
    pl.kernel,
    mesh=_MESH,
    compiler_params=pltpu.CompilerParams(needs_layout_passes=False),
    out_type=jax.ShapeDtypeStruct((N,), jnp.float32),
    scratch_types=[
        pltpu.VMEM((CHUNK,), jnp.float32),
        pltpu.VMEM((CHUNK,), jnp.int32),
        pltpu.VMEM((CHUNK,), jnp.float32),
        pltpu.VMEM((G,), jnp.float32),
        pltpu.VMEM((G,), jnp.float32),
        pltpu.VMEM((G,), jnp.float32),
        pltpu.VMEM((G,), jnp.float32),
    ],
)
def _sc_map(pr_hbm, vr_hbm, tmin_hbm, tmax_hbm, tf0_hbm, tf1_hbm, out_hbm,
            prbuf, vrbuf, obuf, tmin, tmax, tf0, tf1):
    wid = _wid()
    base = wid * PER_W
    pltpu.sync_copy(tmin_hbm, tmin)
    pltpu.sync_copy(tmax_hbm, tmax)
    pltpu.sync_copy(tf0_hbm, tf0)
    pltpu.sync_copy(tf1_hbm, tf1)

    def chunk_body(c, _):
        off = base + c * CHUNK
        pltpu.sync_copy(pr_hbm.at[pl.ds(off, CHUNK)], prbuf)
        pltpu.sync_copy(vr_hbm.at[pl.ds(off, CHUNK)], vrbuf)

        @plsc.parallel_loop(0, CHUNK, step=16, unroll=4)
        def vec_body(i):
            sl = pl.ds(i, 16)
            x = prbuf[sl]
            idx = vrbuf[sl]
            vmn = plsc.load_gather(tmin, [idx])
            vmx = plsc.load_gather(tmax, [idx])
            f0 = plsc.load_gather(tf0, [idx])
            f1 = plsc.load_gather(tf1, [idx])
            tmp = (x - vmn) / (vmx - vmn) * (f1 - f0) + f0
            sc = x / tmp
            bad = (sc != sc) | (jnp.abs(sc) == jnp.inf)
            sc = jnp.where(bad, jnp.float32(0.0), sc)
            obuf[sl] = x * sc
        pltpu.sync_copy(obuf, out_hbm.at[pl.ds(off, CHUNK)])
        return 0

    lax.fori_loop(0, NCHUNK, chunk_body, 0)


def kernel(pr, vr):
    flat = pr.reshape(-1)
    seg = vr.reshape(-1)
    sums = jax.ops.segment_sum(flat, seg, num_segments=G)
    p_cnt, p_min, p_max = _sc_pass1(flat, seg)
    cnts = jnp.sum(p_cnt.reshape(NW, G, 16), axis=(0, 2))
    vmins = jnp.min(p_min.reshape(NW, G, 16), axis=(0, 2))
    vmaxs = jnp.max(p_max.reshape(NW, G, 16), axis=(0, 2))

    vmeans = sums / cnts
    no_scale = jnp.equal(vmins, vmaxs)
    nan_idx = jnp.isnan(vmeans)
    min_valid = jnp.min(jnp.where(nan_idx, jnp.inf, vmeans))
    vmeans = jnp.where(nan_idx, min_valid / 2.0, vmeans)
    sort_ids = jnp.argsort(vmeans)
    orig_ids = jnp.argsort(sort_ids)
    vs = vmeans[sort_ids]
    conv = jnp.concatenate([vs[:1], vs, vs[-1:] * 2.0], axis=0)
    s = conv[:-1] + conv[1:]
    f0 = (s / 1.99)[:-1]
    f1 = (s / 2.01)[1:]
    zf = jnp.float32(0.0)
    of = jnp.float32(1.0)
    t_vmin = jnp.where(no_scale, zf, vmins)
    t_vmax = jnp.where(no_scale, of, vmaxs)
    t_f0 = jnp.where(no_scale, zf, f0[orig_ids])
    t_f1 = jnp.where(no_scale, of, f1[orig_ids])

    res = _sc_map(flat, seg, t_vmin, t_vmax, t_f0, t_f1)
    return res.reshape(pr.shape)

# --- scband reference (transcript-rebuilt; emitter-appended) ---
"""Pipeline reference for scband-group-score-88502096101479 (READ-ONLY COPY).

The authoritative reference and input builder live on the scoring server;
editing this copy changes nothing except your own understanding.
"""

import jax, jax.numpy as jnp
import numpy as np

NCLUSTERS = 64
N = 6400000

def setup_inputs(seed: int = 0) -> dict:
    key = jax.random.key(seed)
    k1, k2 = jax.random.split(key)
    pr = jax.random.normal(k1, (N, 1), dtype=jnp.float32)
    vr = jax.random.randint(k2, (N, 1, 1), 0, NCLUSTERS, dtype=jnp.int32)
    return {"pr": pr, "vr": vr}

def reference(pr, vr):
    G = NCLUSTERS
    sg = jax.lax.stop_gradient
    # vr = tf.stop_gradient(inputs[1]); squeeze last dim: [N,1,1] -> [N,1]
    vr2 = jnp.squeeze(sg(vr), -1)
    seg = vr2.reshape(-1)
    flat = pr.reshape(-1)
    # Per-cluster mean/min/max over elements belonging to each group g
    # (equivalent to the TF loop: where(vr==g, pr, nan) filtered of nans)
    sums = jax.ops.segment_sum(flat, seg, num_segments=G)
    cnts = jax.ops.segment_sum(jnp.ones_like(flat), seg, num_segments=G)
    vmeans = sums / cnts  # empty group -> 0/0 -> nan, matching K.mean of empty
    vmins = jax.ops.segment_min(flat, seg, num_segments=G)
    vmaxs = jax.ops.segment_max(flat, seg, num_segments=G)
    no_scale_idx = jnp.equal(vmins, vmaxs)
    vmins_g = jnp.where(no_scale_idx, jnp.float32(0.0), vmins)[vr2]  # gather -> [N,1]
    vmaxs_g = jnp.where(no_scale_idx, jnp.float32(1.0), vmaxs)[vr2]
    nan_idx = jnp.isnan(vmeans)
    min_valid = jnp.min(jnp.where(nan_idx, jnp.inf, vmeans))
    vmeans = jnp.where(nan_idx, min_valid / 2.0, vmeans)
    sort_ids = jnp.argsort(vmeans)
    orig_ids = jnp.argsort(sort_ids)
    vmeans_sorted = vmeans[sort_ids]
    conv_data = jnp.concatenate([vmeans_sorted[:1], vmeans_sorted, vmeans_sorted[-1:] * 2.0], axis=0)
    # conv1d with kernel of ones(2), VALID padding: adjacent-pair sums
    s = conv_data[:-1] + conv_data[1:]  # length G+1
    f0 = (s / 1.99)[:-1]  # length G
    f1 = (s / 2.01)[1:]   # length G
    f0 = jnp.where(no_scale_idx, jnp.float32(0.0), f0[orig_ids])[vr2]
    f1 = jnp.where(no_scale_idx, jnp.float32(1.0), f1[orig_ids])[vr2]
    tmp = (sg(pr) - sg(vmins_g)) / sg(vmaxs_g - vmins_g) * sg(f1 - f0) + sg(f0)
    scale = pr / tmp
    scale = jnp.where(jnp.isnan(scale) | jnp.isinf(scale), jnp.float32(0.0), scale)
    res = pr * sg(scale)
    return res

if __name__ == "__main__":
    import jax
    _d = setup_inputs()
    print(jax.jit(kernel)(*tuple(_d.values())))

</pallas_src>

<mosaic_0001>
#map = affine_map<(d0, d1) -> (0)>
module attributes {stable_mosaic.version = 14 : i64} {
  func.func @_sc_map(%arg0: i32, %arg1: i32, %arg2: memref<6400000xf32, #tpu.memory_space<hbm>>, %arg3: memref<6400000xi32, #tpu.memory_space<hbm>>, %arg4: memref<64xf32, #tpu.memory_space<hbm>>, %arg5: memref<64xf32, #tpu.memory_space<hbm>>, %arg6: memref<64xf32, #tpu.memory_space<hbm>>, %arg7: memref<64xf32, #tpu.memory_space<hbm>>, %arg8: memref<6400000xf32, #tpu.memory_space<hbm>>, %arg9: memref<40000xf32, #tpu.memory_space<vmem>>, %arg10: memref<40000xi32, #tpu.memory_space<vmem>>, %arg11: memref<40000xf32, #tpu.memory_space<vmem>>, %arg12: memref<64xf32, #tpu.memory_space<vmem>>, %arg13: memref<64xf32, #tpu.memory_space<vmem>>, %arg14: memref<64xf32, #tpu.memory_space<vmem>>, %arg15: memref<64xf32, #tpu.memory_space<vmem>>) attributes {dimension_semantics = [#tpu.dimension_semantics<core_parallel>, #tpu.dimension_semantics<subcore_parallel>], iteration_bounds = array<i64: 2, 16>, scalar_prefetch = 0 : i64, scratch_operands = 7 : i64, tpu.core_type = #tpu.core_type<sc_vector_subcore>, window_params = [{transform_indices = #map}, {transform_indices = #map}, {transform_indices = #map}, {transform_indices = #map}, {transform_indices = #map}, {transform_indices = #map}, {transform_indices = #map}]} {
    %mul3A = arith.constant 2 : i32
    %mul3A_0 = arith.muli %arg1, %mul3A : i32
    %add3A = arith.addi %mul3A_0, %arg0 : i32
    %mul3A_1 = arith.constant 200000 : i32
    %mul3A_2 = arith.muli %add3A, %mul3A_1 : i32
    "tpu.region"() ({
      %run_scoped3A = tpu.sem_alloc : memref<!tpu.dma_semaphore, #tpu.memory_space<semaphore_mem>>
      tpu.enqueue_dma source(%arg4 : memref<64xf32, #tpu.memory_space<hbm>>) target(%arg12 : memref<64xf32, #tpu.memory_space<vmem>>) target_semaphore(%run_scoped3A : memref<!tpu.dma_semaphore, #tpu.memory_space<semaphore_mem>>)
      tpu.wait_dma2 semaphore(%run_scoped3A : memref<!tpu.dma_semaphore, #tpu.memory_space<semaphore_mem>>) src(%arg4 : memref<64xf32, #tpu.memory_space<hbm>>) dst(%arg12 : memref<64xf32, #tpu.memory_space<vmem>>)
      tpu.yield
    }) : () -> ()
    "tpu.region"() ({
      %run_scoped3A = tpu.sem_alloc : memref<!tpu.dma_semaphore, #tpu.memory_space<semaphore_mem>>
      tpu.enqueue_dma source(%arg5 : memref<64xf32, #tpu.memory_space<hbm>>) target(%arg13 : memref<64xf32, #tpu.memory_space<vmem>>) target_semaphore(%run_scoped3A : memref<!tpu.dma_semaphore, #tpu.memory_space<semaphore_mem>>)
      tpu.wait_dma2 semaphore(%run_scoped3A : memref<!tpu.dma_semaphore, #tpu.memory_space<semaphore_mem>>) src(%arg5 : memref<64xf32, #tpu.memory_space<hbm>>) dst(%arg13 : memref<64xf32, #tpu.memory_space<vmem>>)
      tpu.yield
    }) : () -> ()
    "tpu.region"() ({
      %run_scoped3A = tpu.sem_alloc : memref<!tpu.dma_semaphore, #tpu.memory_space<semaphore_mem>>
      tpu.enqueue_dma source(%arg6 : memref<64xf32, #tpu.memory_space<hbm>>) target(%arg14 : memref<64xf32, #tpu.memory_space<vmem>>) target_semaphore(%run_scoped3A : memref<!tpu.dma_semaphore, #tpu.memory_space<semaphore_mem>>)
      tpu.wait_dma2 semaphore(%run_scoped3A : memref<!tpu.dma_semaphore, #tpu.memory_space<semaphore_mem>>) src(%arg6 : memref<64xf32, #tpu.memory_space<hbm>>) dst(%arg14 : memref<64xf32, #tpu.memory_space<vmem>>)
      tpu.yield
    }) : () -> ()
    "tpu.region"() ({
      %run_scoped3A = tpu.sem_alloc : memref<!tpu.dma_semaphore, #tpu.memory_space<semaphore_mem>>
      tpu.enqueue_dma source(%arg7 : memref<64xf32, #tpu.memory_space<hbm>>) target(%arg15 : memref<64xf32, #tpu.memory_space<vmem>>) target_semaphore(%run_scoped3A : memref<!tpu.dma_semaphore, #tpu.memory_space<semaphore_mem>>)
      tpu.wait_dma2 semaphore(%run_scoped3A : memref<!tpu.dma_semaphore, #tpu.memory_space<semaphore_mem>>) src(%arg7 : memref<64xf32, #tpu.memory_space<hbm>>) dst(%arg15 : memref<64xf32, #tpu.memory_space<vmem>>)
      tpu.yield
    }) : () -> ()
    %scan3A = arith.constant 0 : i32
    %scan3A_3 = arith.constant 0 : i32
    %scan3A_4 = arith.constant 5 : i32
    %scan3A_5 = arith.addi %scan3A_3, %scan3A_4 : i32
    %scan3A_6 = arith.constant 1 : i32
    %scan3A_7 = scf.for %scan3A_9 = %scan3A_3 to %scan3A_5 step %scan3A_6 iter_args(%scan3A_10 = %scan3A) -> (i32)  : i32 {
      %mul3A_11 = arith.constant 40000 : i32
      %mul3A_12 = arith.muli %scan3A_9, %mul3A_11 : i32
      %add3A_13 = arith.addi %mul3A_2, %mul3A_12 : i32
      "tpu.region"() ({
        %run_scoped3A = tpu.sem_alloc : memref<!tpu.dma_semaphore, #tpu.memory_space<semaphore_mem>>
        %dma_start3A = tpu.memref_slice %arg2[%add3A_13] : memref<6400000xf32, #tpu.memory_space<hbm>> -> memref<40000xf32, #tpu.memory_space<hbm>>
        %dma_start3A_17 = tpu.memref_slice %arg2[%add3A_13] : memref<6400000xf32, #tpu.memory_space<hbm>> -> memref<40000xf32, #tpu.memory_space<hbm>>
        tpu.enqueue_dma source(%dma_start3A_17 : memref<40000xf32, #tpu.memory_space<hbm>>) target(%arg9 : memref<40000xf32, #tpu.memory_space<vmem>>) target_semaphore(%run_scoped3A : memref<!tpu.dma_semaphore, #tpu.memory_space<semaphore_mem>>)
        %dma_wait3A = tpu.memref_slice %arg2[%add3A_13] : memref<6400000xf32, #tpu.memory_space<hbm>> -> memref<40000xf32, #tpu.memory_space<hbm>>
        %dma_wait3A_18 = tpu.memref_slice %arg2[%add3A_13] : memref<6400000xf32, #tpu.memory_space<hbm>> -> memref<40000xf32, #tpu.memory_space<hbm>>
        tpu.wait_dma2 semaphore(%run_scoped3A : memref<!tpu.dma_semaphore, #tpu.memory_space<semaphore_mem>>) src(%dma_wait3A_18 : memref<40000xf32, #tpu.memory_space<hbm>>) dst(%arg9 : memref<40000xf32, #tpu.memory_space<vmem>>)
        tpu.yield
      }) : () -> ()
      "tpu.region"() ({
        %run_scoped3A = tpu.sem_alloc : memref<!tpu.dma_semaphore, #tpu.memory_space<semaphore_mem>>
        %dma_start3A = tpu.memref_slice %arg3[%add3A_13] : memref<6400000xi32, #tpu.memory_space<hbm>> -> memref<40000xi32, #tpu.memory_space<hbm>>
        %dma_start3A_17 = tpu.memref_slice %arg3[%add3A_13] : memref<6400000xi32, #tpu.memory_space<hbm>> -> memref<40000xi32, #tpu.memory_space<hbm>>
        tpu.enqueue_dma source(%dma_start3A_17 : memref<40000xi32, #tpu.memory_space<hbm>>) target(%arg10 : memref<40000xi32, #tpu.memory_space<vmem>>) target_semaphore(%run_scoped3A : memref<!tpu.dma_semaphore, #tpu.memory_space<semaphore_mem>>)
        %dma_wait3A = tpu.memref_slice %arg3[%add3A_13] : memref<6400000xi32, #tpu.memory_space<hbm>> -> memref<40000xi32, #tpu.memory_space<hbm>>
        %dma_wait3A_18 = tpu.memref_slice %arg3[%add3A_13] : memref<6400000xi32, #tpu.memory_space<hbm>> -> memref<40000xi32, #tpu.memory_space<hbm>>
        tpu.wait_dma2 semaphore(%run_scoped3A : memref<!tpu.dma_semaphore, #tpu.memory_space<semaphore_mem>>) src(%dma_wait3A_18 : memref<40000xi32, #tpu.memory_space<hbm>>) dst(%arg10 : memref<40000xi32, #tpu.memory_space<vmem>>)
        tpu.yield
      }) : () -> ()
      %parallel_loop3A = arith.constant 0 : i32
      %parallel_loop3A_14 = arith.constant 40000 : i32
      %parallel_loop3A_15 = arith.constant 16 : i32
      scf.for %parallel_loop3A_17 = %parallel_loop3A to %parallel_loop3A_14 step %parallel_loop3A_15  : i32 {
        %parallel_loop3A_18 = arith.index_cast %parallel_loop3A_17 : i32 to index
        %parallel_loop3A_19 = tpu.vector_load %arg9[%parallel_loop3A_18] {strides = array<i32>} : memref<40000xf32, #tpu.memory_space<vmem>>, vector<16xf32>,
        %parallel_loop3A_20 = arith.index_cast %parallel_loop3A_17 : i32 to index
        %parallel_loop3A_21 = tpu.vector_load %arg10[%parallel_loop3A_20] {strides = array<i32>} : memref<40000xi32, #tpu.memory_space<vmem>>, vector<16xi32>,
        %parallel_loop3A_22 = tpu.vector_load_idx %arg12[%parallel_loop3A_21] : memref<64xf32, #tpu.memory_space<vmem>>[vector<16xi32>], vector<16xf32>,
        %parallel_loop3A_23 = tpu.vector_load_idx %arg13[%parallel_loop3A_21] : memref<64xf32, #tpu.memory_space<vmem>>[vector<16xi32>], vector<16xf32>,
        %parallel_loop3A_24 = tpu.vector_load_idx %arg14[%parallel_loop3A_21] : memref<64xf32, #tpu.memory_space<vmem>>[vector<16xi32>], vector<16xf32>,
        %parallel_loop3A_25 = tpu.vector_load_idx %arg15[%parallel_loop3A_21] : memref<64xf32, #tpu.memory_space<vmem>>[vector<16xi32>], vector<16xf32>,
        %parallel_loop3A_26 = arith.subf %parallel_loop3A_19, %parallel_loop3A_22 : vector<16xf32>
        %parallel_loop3A_27 = arith.subf %parallel_loop3A_23, %parallel_loop3A_22 : vector<16xf32>
        %parallel_loop3A_28 = arith.divf %parallel_loop3A_26, %parallel_loop3A_27 : vector<16xf32>
        %parallel_loop3A_29 = arith.subf %parallel_loop3A_25, %parallel_loop3A_24 : vector<16xf32>
        %parallel_loop3A_30 = arith.mulf %parallel_loop3A_28, %parallel_loop3A_29 : vector<16xf32>
        %parallel_loop3A_31 = arith.addf %parallel_loop3A_30, %parallel_loop3A_24 : vector<16xf32>
        %parallel_loop3A_32 = arith.divf %parallel_loop3A_19, %parallel_loop3A_31 : vector<16xf32>
        %parallel_loop3A_33 = arith.cmpf one, %parallel_loop3A_32, %parallel_loop3A_32 : vector<16xf32>
        %parallel_loop3A_34 = math.absf %parallel_loop3A_32 : vector<16xf32>
        %parallel_loop3A_35 = arith.constant 0x7F800000 : f32
        %parallel_loop3A_36 = vector.broadcast %parallel_loop3A_35 : f32 to vector<16xf32>
        %parallel_loop3A_37 = arith.cmpf oeq, %parallel_loop3A_34, %parallel_loop3A_36 : vector<16xf32>
        %parallel_loop3A_38 = arith.ori %parallel_loop3A_33, %parallel_loop3A_37 : vector<16xi1>
        %parallel_loop3A_39 = arith.constant 0.000000e+00 : f32
        %parallel_loop3A_40 = vector.broadcast %parallel_loop3A_39 : f32 to vector<16xf32>
        %parallel_loop3A_41 = arith.select %parallel_loop3A_38, %parallel_loop3A_40, %parallel_loop3A_32 : vector<16xi1>, vector<16xf32>
        %parallel_loop3A_42 = arith.mulf %parallel_loop3A_19, %parallel_loop3A_41 : vector<16xf32>
        %parallel_loop3A_43 = arith.index_cast %parallel_loop3A_17 : i32 to index
        %parallel_loop3A_44 = tpu.vector_load %arg11[%parallel_loop3A_43] {strides = array<i32>} : memref<40000xf32, #tpu.memory_space<vmem>>, vector<16xf32>,
        tpu.vector_store %arg11[%parallel_loop3A_43], %parallel_loop3A_42 {strides = array<i32>} : memref<40000xf32, #tpu.memory_space<vmem>>, vector<16xf32>,
      } {sc.loop_unroll_factor = 4 : i64, sc.parallel_access}
      "tpu.region"() ({
        %run_scoped3A = tpu.sem_alloc : memref<!tpu.dma_semaphore, #tpu.memory_space<semaphore_mem>>
        %dma_start3A = tpu.memref_slice %arg8[%add3A_13] : memref<6400000xf32, #tpu.memory_space<hbm>> -> memref<40000xf32, #tpu.memory_space<hbm>>
        %dma_start3A_17 = tpu.memref_slice %arg8[%add3A_13] : memref<6400000xf32, #tpu.memory_space<hbm>> -> memref<40000xf32, #tpu.memory_space<hbm>>
        tpu.enqueue_dma source(%arg11 : memref<40000xf32, #tpu.memory_space<vmem>>) target(%dma_start3A_17 : memref<40000xf32, #tpu.memory_space<hbm>>) target_semaphore(%run_scoped3A : memref<!tpu.dma_semaphore, #tpu.memory_space<semaphore_mem>>)
        %dma_wait3A = tpu.memref_slice %arg8[%add3A_13] : memref<6400000xf32, #tpu.memory_space<hbm>> -> memref<40000xf32, #tpu.memory_space<hbm>>
        %dma_wait3A_18 = tpu.memref_slice %arg8[%add3A_13] : memref<6400000xf32, #tpu.memory_space<hbm>> -> memref<40000xf32, #tpu.memory_space<hbm>>
        tpu.wait_dma2 semaphore(%run_scoped3A : memref<!tpu.dma_semaphore, #tpu.memory_space<semaphore_mem>>) src(%arg11 : memref<40000xf32, #tpu.memory_space<vmem>>) dst(%dma_wait3A_18 : memref<40000xf32, #tpu.memory_space<hbm>>)
        tpu.yield
      }) : () -> ()
      %scan3A_16 = arith.constant 0 : i32
      scf.yield %scan3A_16 : i32
    }
    %scan3A_8 = arith.constant 5 : i32
    return
  }
}

#map = affine_map<(d0, d1) -> (0)>
#map1 = affine_map<(d0, d1) -> (0, 0, 0)>
module attributes {stable_mosaic.version = 14 : i64} {
  func.func @_sc_pass1(%arg0: i32, %arg1: i32, %arg2: memref<6400000xf32, #tpu.memory_space<hbm>>, %arg3: memref<6400000xi32, #tpu.memory_space<hbm>>, %arg4: memref<32x1x1024xf32, #tpu.memory_space<hbm>>, %arg5: memref<32x1x1024xf32, #tpu.memory_space<hbm>>, %arg6: memref<32x1x1024xf32, #tpu.memory_space<hbm>>, %arg7: memref<40000xf32, #tpu.memory_space<vmem>>, %arg8: memref<40000xi32, #tpu.memory_space<vmem>>, %arg9: memref<1024xf32, #tpu.memory_space<vmem>>, %arg10: memref<1024xf32, #tpu.memory_space<vmem>>, %arg11: memref<1024xf32, #tpu.memory_space<vmem>>) attributes {dimension_semantics = [#tpu.dimension_semantics<core_parallel>, #tpu.dimension_semantics<subcore_parallel>], iteration_bounds = array<i64: 2, 16>, scalar_prefetch = 0 : i64, scratch_operands = 5 : i64, tpu.core_type = #tpu.core_type<sc_vector_subcore>, window_params = [{transform_indices = #map}, {transform_indices = #map}, {transform_indices = #map1}, {transform_indices = #map1}, {transform_indices = #map1}]} {
    %mul3A = arith.constant 2 : i32
    %mul3A_0 = arith.muli %arg1, %mul3A : i32
    %add3A = arith.addi %mul3A_0, %arg0 : i32
    %mul3A_1 = arith.constant 200000 : i32
    %mul3A_2 = arith.muli %add3A, %mul3A_1 : i32
    %broadcast_in_dim3A = arith.constant 0x7F800000 : f32
    %broadcast_in_dim3A_3 = vector.broadcast %broadcast_in_dim3A : f32 to vector<16xf32>
    %broadcast_in_dim3A_4 = arith.constant 0.000000e+00 : f32
    %broadcast_in_dim3A_5 = vector.broadcast %broadcast_in_dim3A_4 : f32 to vector<16xf32>
    %swap3A = arith.constant 0 : index
    %swap3A_6 = tpu.vector_load %arg9[%swap3A] {strides = array<i32>} : memref<1024xf32, #tpu.memory_space<vmem>>, vector<16xf32>,
    tpu.vector_store %arg9[%swap3A], %broadcast_in_dim3A_5 {strides = array<i32>} : memref<1024xf32, #tpu.memory_space<vmem>>, vector<16xf32>,
    %swap3A_7 = arith.constant 0 : index
    %swap3A_8 = tpu.vector_load %arg10[%swap3A_7] {strides = array<i32>} : memref<1024xf32, #tpu.memory_space<vmem>>, vector<16xf32>,
    tpu.vector_store %arg10[%swap3A_7], %broadcast_in_dim3A_3 {strides = array<i32>} : memref<1024xf32, #tpu.memory_space<vmem>>, vector<16xf32>,
    %neg3A = arith.constant 0.000000e+00 : f32
    %neg3A_9 = vector.broadcast %neg3A : f32 to vector<16xf32>
    %neg3A_10 = arith.subf %neg3A_9, %broadcast_in_dim3A_3 : vector<16xf32>
    %swap3A_11 = arith.constant 0 : index
    %swap3A_12 = tpu.vector_load %arg11[%swap3A_11] {strides = array<i32>} : memref<1024xf32, #tpu.memory_space<vmem>>, vector<16xf32>,
    tpu.vector_store %arg11[%swap3A_11], %neg3A_10 {strides = array<i32>} : memref<1024xf32, #tpu.memory_space<vmem>>, vector<16xf32>,
    %swap3A_13 = arith.constant 16 : index
    %swap3A_14 = tpu.vector_load %arg9[%swap3A_13] {strides = array<i32>} : memref<1024xf32, #tpu.memory_space<vmem>>, vector<16xf32>,
    tpu.vector_store %arg9[%swap3A_13], %broadcast_in_dim3A_5 {strides = array<i32>} : memref<1024xf32, #tpu.memory_space<vmem>>, vector<16xf32>,
    %swap3A_15 = arith.constant 16 : index
    %swap3A_16 = tpu.vector_load %arg10[%swap3A_15] {strides = array<i32>} : memref<1024xf32, #tpu.memory_space<vmem>>, vector<16xf32>,
    tpu.vector_store %arg10[%swap3A_15], %broadcast_in_dim3A_3 {strides = array<i32>} : memref<1024xf32, #tpu.memory_space<vmem>>, vector<16xf32>,
    %neg3A_17 = arith.constant 0.000000e+00 : f32
    %neg3A_18 = vector.broadcast %neg3A_17 : f32 to vector<16xf32>
    %neg3A_19 = arith.subf %neg3A_18, %broadcast_in_dim3A_3 : vector<16xf32>
    %swap3A_20 = arith.constant 16 : index
    %swap3A_21 = tpu.vector_load %arg11[%swap3A_20] {strides = array<i32>} : memref<1024xf32, #tpu.memory_space<vmem>>, vector<16xf32>,
    tpu.vector_store %arg11[%swap3A_20], %neg3A_19 {strides = array<i32>} : memref<1024xf32, #tpu.memory_space<vmem>>, vector<16xf32>,
    %swap3A_22 = arith.constant 32 : index
    %swap3A_23 = tpu.vector_load %arg9[%swap3A_22] {strides = array<i32>} : memref<1024xf32, #tpu.memory_space<vmem>>, vector<16xf32>,
    tpu.vector_store %arg9[%swap3A_22], %broadcast_in_dim3A_5 {strides = array<i32>} : memref<1024xf32, #tpu.memory_space<vmem>>, vector<16xf32>,
    %swap3A_24 = arith.constant 32 : index
    %swap3A_25 = tpu.vector_load %arg10[%swap3A_24] {strides = array<i32>} : memref<1024xf32, #tpu.memory_space<vmem>>, vector<16xf32>,
    tpu.vector_store %arg10[%swap3A_24], %broadcast_in_dim3A_3 {strides = array<i32>} : memref<1024xf32, #tpu.memory_space<vmem>>, vector<16xf32>,
    %neg3A_26 = arith.constant 0.000000e+00 : f32
    %neg3A_27 = vector.broadcast %neg3A_26 : f32 to vector<16xf32>
    %neg3A_28 = arith.subf %neg3A_27, %broadcast_in_dim3A_3 : vector<16xf32>
    %swap3A_29 = arith.constant 32 : index
    %swap3A_30 = tpu.vector_load %arg11[%swap3A_29] {strides = array<i32>} : memref<1024xf32, #tpu.memory_space<vmem>>, vector<16xf32>,
    tpu.vector_store %arg11[%swap3A_29], %neg3A_28 {strides = array<i32>} : memref<1024xf32, #tpu.memory_space<vmem>>, vector<16xf32>,
    %swap3A_31 = arith.constant 48 : index
    %swap3A_32 = tpu.vector_load %arg9[%swap3A_31] {strides = array<i32>} : memref<1024xf32, #tpu.memory_space<vmem>>, vector<16xf32>,
    tpu.vector_store %arg9[%swap3A_31], %broadcast_in_dim3A_5 {strides = array<i32>} : memref<1024xf32, #tpu.memory_space<vmem>>, vector<16xf32>,
    %swap3A_33 = arith.constant 48 : index
    %swap3A_34 = tpu.vector_load %arg10[%swap3A_33] {strides = array<i32>} : memref<1024xf32, #tpu.memory_space<vmem>>, vector<16xf32>,
    tpu.vector_store %arg10[%swap3A_33], %broadcast_in_dim3A_3 {strides = array<i32>} : memref<1024xf32, #tpu.memory_space<vmem>>, vector<16xf32>,
    %neg3A_35 = arith.constant 0.000000e+00 : f32
    %neg3A_36 = vector.broadcast %neg3A_35 : f32 to vector<16xf32>
    %neg3A_37 = arith.subf %neg3A_36, %broadcast_in_dim3A_3 : vector<16xf32>
    %swap3A_38 = arith.constant 48 : index
    %swap3A_39 = tpu.vector_load %arg11[%swap3A_38] {strides = array<i32>} : memref<1024xf32, #tpu.memory_space<vmem>>, vector<16xf32>,
    tpu.vector_store %arg11[%swap3A_38], %neg3A_37 {strides = array<i32>} : memref<1024xf32, #tpu.memory_space<vmem>>, vector<16xf32>,
    %swap3A_40 = arith.constant 64 : index
    %swap3A_41 = tpu.vector_load %arg9[%swap3A_40] {strides = array<i32>} : memref<1024xf32, #tpu.memory_space<vmem>>, vector<16xf32>,
    tpu.vector_store %arg9[%swap3A_40], %broadcast_in_dim3A_5 {strides = array<i32>} : memref<1024xf32, #tpu.memory_space<vmem>>, vector<16xf32>,
    %swap3A_42 = arith.constant 64 : index
    %swap3A_43 = tpu.vector_load %arg10[%swap3A_42] {strides = array<i32>} : memref<1024xf32, #tpu.memory_space<vmem>>, vector<16xf32>,
    tpu.vector_store %arg10[%swap3A_42], %broadcast_in_dim3A_3 {strides = array<i32>} : memref<1024xf32, #tpu.memory_space<vmem>>, vector<16xf32>,
    %neg3A_44 = arith.constant 0.000000e+00 : f32
    %neg3A_45 = vector.broadcast %neg3A_44 : f32 to vector<16xf32>
    %neg3A_46 = arith.subf %neg3A_45, %broadcast_in_dim3A_3 : vector<16xf32>
    %swap3A_47 = arith.constant 64 : index
    %swap3A_48 = tpu.vector_load %arg11[%swap3A_47] {strides = array<i32>} : memref<1024xf32, #tpu.memory_space<vmem>>, vector<16xf32>,
    tpu.vector_store %arg11[%swap3A_47], %neg3A_46 {strides = array<i32>} : memref<1024xf32, #tpu.memory_space<vmem>>, vector<16xf32>,
    %swap3A_49 = arith.constant 80 : index
    %swap3A_50 = tpu.vector_load %arg9[%swap3A_49] {strides = array<i32>} : memref<1024xf32, #tpu.memory_space<vmem>>, vector<16xf32>,
    tpu.vector_store %arg9[%swap3A_49], %broadcast_in_dim3A_5 {strides = array<i32>} : memref<1024xf32, #tpu.memory_space<vmem>>, vector<16xf32>,
    %swap3A_51 = arith.constant 80 : index
    %swap3A_52 = tpu.vector_load %arg10[%swap3A_51] {strides = array<i32>} : memref<1024xf32, #tpu.memory_space<vmem>>, vector<16xf32>,
    tpu.vector_store %arg10[%swap3A_51], %broadcast_in_dim3A_3 {strides = array<i32>} : memref<1024xf32, #tpu.memory_space<vmem>>, vector<16xf32>,
    %neg3A_53 = arith.constant 0.000000e+00 : f32
    %neg3A_54 = vector.broadcast %neg3A_53 : f32 to vector<16xf32>
    %neg3A_55 = arith.subf %neg3A_54, %broadcast_in_dim3A_3 : vector<16xf32>
    %swap3A_56 = arith.constant 80 : index
    %swap3A_57 = tpu.vector_load %arg11[%swap3A_56] {strides = array<i32>} : memref<1024xf32, #tpu.memory_space<vmem>>, vector<16xf32>,
    tpu.vector_store %arg11[%swap3A_56], %neg3A_55 {strides = array<i32>} : memref<1024xf32, #tpu.memory_space<vmem>>, vector<16xf32>,
    %swap3A_58 = arith.constant 96 : index
    %swap3A_59 = tpu.vector_load %arg9[%swap3A_58] {strides = array<i32>} : memref<1024xf32, #tpu.memory_space<vmem>>, vector<16xf32>,
    tpu.vector_store %arg9[%swap3A_58], %broadcast_in_dim3A_5 {strides = array<i32>} : memref<1024xf32, #tpu.memory_space<vmem>>, vector<16xf32>,
    %swap3A_60 = arith.constant 96 : index
    %swap3A_61 = tpu.vector_load %arg10[%swap3A_60] {strides = array<i32>} : memref<1024xf32, #tpu.memory_space<vmem>>, vector<16xf32>,
    tpu.vector_store %arg10[%swap3A_60], %broadcast_in_dim3A_3 {strides = array<i32>} : memref<1024xf32, #tpu.memory_space<vmem>>, vector<16xf32>,
    %neg3A_62 = arith.constant 0.000000e+00 : f32
    %neg3A_63 = vector.broadcast %neg3A_62 : f32 to vector<16xf32>
    %neg3A_64 = arith.subf %neg3A_63, %broadcast_in_dim3A_3 : vector<16xf32>
    %swap3A_65 = arith.constant 96 : index
    %swap3A_66 = tpu.vector_load %arg11[%swap3A_65] {strides = array<i32>} : memref<1024xf32, #tpu.memory_space<vmem>>, vector<16xf32>,
    tpu.vector_store %arg11[%swap3A_65], %neg3A_64 {strides = array<i32>} : memref<1024xf32, #tpu.memory_space<vmem>>, vector<16xf32>,
    %swap3A_67 = arith.constant 112 : index
    %swap3A_68 = tpu.vector_load %arg9[%swap3A_67] {strides = array<i32>} : memref<1024xf32, #tpu.memory_space<vmem>>, vector<16xf32>,
    tpu.vector_store %arg9[%swap3A_67], %broadcast_in_dim3A_5 {strides = array<i32>} : memref<1024xf32, #tpu.memory_space<vmem>>, vector<16xf32>,
    %swap3A_69 = arith.constant 112 : index
    %swap3A_70 = tpu.vector_load %arg10[%swap3A_69] {strides = array<i32>} : memref<1024xf32, #tpu.memory_space<vmem>>, vector<16xf32>,
    tpu.vector_store %arg10[%swap3A_69], %broadcast_in_dim3A_3 {strides = array<i32>} : memref<1024xf32, #tpu.memory_space<vmem>>, vector<16xf32>,
    %neg3A_71 = arith.constant 0.000000e+00 : f32
    %neg3A_72 = vector.broadcast %neg3A_71 : f32 to vector<16xf32>
    %neg3A_73 = arith.subf %neg3A_72, %broadcast_in_dim3A_3 : vector<16xf32>
    %swap3A_74 = arith.constant 112 : index
    %swap3A_75 = tpu.vector_load %arg11[%swap3A_74] {strides = array<i32>} : memref<1024xf32, #tpu.memory_space<vmem>>, vector<16xf32>,
    tpu.vector_store %arg11[%swap3A_74], %neg3A_73 {strides = array<i32>} : memref<1024xf32, #tpu.memory_space<vmem>>, vector<16xf32>,
    %swap3A_76 = arith.constant 128 : index
    %swap3A_77 = tpu.vector_load %arg9[%swap3A_76] {strides = array<i32>} : memref<1024xf32, #tpu.memory_space<vmem>>, vector<16xf32>,
    tpu.vector_store %arg9[%swap3A_76], %broadcast_in_dim3A_5 {strides = array<i32>} : memref<1024xf32, #tpu.memory_space<vmem>>, vector<16xf32>,
    %swap3A_78 = arith.constant 128 : index
    %swap3A_79 = tpu.vector_load %arg10[%swap3A_78] {strides = array<i32>} : memref<1024xf32, #tpu.memory_space<vmem>>, vector<16xf32>,
    tpu.vector_store %arg10[%swap3A_78], %broadcast_in_dim3A_3 {strides = array<i32>} : memref<1024xf32, #tpu.memory_space<vmem>>, vector<16xf32>,
    %neg3A_80 = arith.constant 0.000000e+00 : f32
    %neg3A_81 = vector.broadcast %neg3A_80 : f32 to vector<16xf32>
    %neg3A_82 = arith.subf %neg3A_81, %broadcast_in_dim3A_3 : vector<16xf32>
    %swap3A_83 = arith.constant 128 : index
    %swap3A_84 = tpu.vector_load %arg11[%swap3A_83] {strides = array<i32>} : memref<1024xf32, #tpu.memory_space<vmem>>, vector<16xf32>,
    tpu.vector_store %arg11[%swap3A_83], %neg3A_82 {strides = array<i32>} : memref<1024xf32, #tpu.memory_space<vmem>>, vector<16xf32>,
    %swap3A_85 = arith.constant 144 : index
    %swap3A_86 = tpu.vector_load %arg9[%swap3A_85] {strides = array<i32>} : memref<1024xf32, #tpu.memory_space<vmem>>, vector<16xf32>,
    tpu.vector_store %arg9[%swap3A_85], %broadcast_in_dim3A_5 {strides = array<i32>} : memref<1024xf32, #tpu.memory_space<vmem>>, vector<16xf32>,
    %swap3A_87 = arith.constant 144 : index
    %swap3A_88 = tpu.vector_load %arg10[%swap3A_87] {strides = array<i32>} : memref<1024xf32, #tpu.memory_space<vmem>>, vector<16xf32>,
    tpu.vector_store %arg10[%swap3A_87], %broadcast_in_dim3A_3 {strides = array<i32>} : memref<1024xf32, #tpu.memory_space<vmem>>, vector<16xf32>,
    %neg3A_89 = arith.constant 0.000000e+00 : f32
    %neg3A_90 = vector.broadcast %neg3A_89 : f32 to vector<16xf32>
    %neg3A_91 = arith.subf %neg3A_90, %broadcast_in_dim3A_3 : vector<16xf32>
    %swap3A_92 = arith.constant 144 : index
    %swap3A_93 = tpu.vector_load %arg11[%swap3A_92] {strides = array<i32>} : memref<1024xf32, #tpu.memory_space<vmem>>, vector<16xf32>,
    tpu.vector_store %arg11[%swap3A_92], %neg3A_91 {strides = array<i32>} : memref<1024xf32, #tpu.memory_space<vmem>>, vector<16xf32>,
    %swap3A_94 = arith.constant 160 : index
    %swap3A_95 = tpu.vector_load %arg9[%swap3A_94] {strides = array<i32>} : memref<1024xf32, #tpu.memory_space<vmem>>, vector<16xf32>,
    tpu.vector_store %arg9[%swap3A_94], %broadcast_in_dim3A_5 {strides = array<i32>} : memref<1024xf32, #tpu.memory_space<vmem>>, vector<16xf32>,
    %swap3A_96 = arith.constant 160 : index
    %swap3A_97 = tpu.vector_load %arg10[%swap3A_96] {strides = array<i32>} : memref<1024xf32, #tpu.memory_space<vmem>>, vector<16xf32>,
    tpu.vector_store %arg10[%swap3A_96], %broadcast_in_dim3A_3 {strides = array<i32>} : memref<1024xf32, #tpu.memory_space<vmem>>, vector<16xf32>,
    %neg3A_98 = arith.constant 0.000000e+00 : f32
    %neg3A_99 = vector.broadcast %neg3A_98 : f32 to vector<16xf32>
    %neg3A_100 = arith.subf %neg3A_99, %broadcast_in_dim3A_3 : vector<16xf32>
    %swap3A_101 = arith.constant 160 : index
    %swap3A_102 = tpu.vector_load %arg11[%swap3A_101] {strides = array<i32>} : memref<1024xf32, #tpu.memory_space<vmem>>, vector<16xf32>,
    tpu.vector_store %arg11[%swap3A_101], %neg3A_100 {strides = array<i32>} : memref<1024xf32, #tpu.memory_space<vmem>>, vector<16xf32>,
    %swap3A_103 = arith.constant 176 : index
    %swap3A_104 = tpu.vector_load %arg9[%swap3A_103] {strides = array<i32>} : memref<1024xf32, #tpu.memory_space<vmem>>, vector<16xf32>,
    tpu.vector_store %arg9[%swap3A_103], %broadcast_in_dim3A_5 {strides = array<i32>} : memref<1024xf32, #tpu.memory_space<vmem>>, vector<16xf32>,
    %swap3A_105 = arith.constant 176 : index
    %swap3A_106 = tpu.vector_load %arg10[%swap3A_105] {strides = array<i32>} : memref<1024xf32, #tpu.memory_space<vmem>>, vector<16xf32>,
    tpu.vector_store %arg10[%swap3A_105], %broadcast_in_dim3A_3 {strides = array<i32>} : memref<1024xf32, #tpu.memory_space<vmem>>, vector<16xf32>,
    %neg3A_107 = arith.constant 0.000000e+00 : f32
    %neg3A_108 = vector.broadcast %neg3A_107 : f32 to vector<16xf32>
    %neg3A_109 = arith.subf %neg3A_108, %broadcast_in_dim3A_3 : vector<16xf32>
    %swap3A_110 = arith.constant 176 : index
    %swap3A_111 = tpu.vector_load %arg11[%swap3A_110] {strides = array<i32>} : memref<1024xf32, #tpu.memory_space<vmem>>, vector<16xf32>,
    tpu.vector_store %arg11[%swap3A_110], %neg3A_109 {strides = array<i32>} : memref<1024xf32, #tpu.memory_space<vmem>>, vector<16xf32>,
    %swap3A_112 = arith.constant 192 : index
    %swap3A_113 = tpu.vector_load %arg9[%swap3A_112] {strides = array<i32>} : memref<1024xf32, #tpu.memory_space<vmem>>, vector<16xf32>,
    tpu.vector_store %arg9[%swap3A_112], %broadcast_in_dim3A_5 {strides = array<i32>} : memref<1024xf32, #tpu.memory_space<vmem>>, vector<16xf32>,
    %swap3A_114 = arith.constant 192 : index
    %swap3A_115 = tpu.vector_load %arg10[%swap3A_114] {strides = array<i32>} : memref<1024xf32, #tpu.memory_space<vmem>>, vector<16xf32>,
    tpu.vector_store %arg10[%swap3A_114], %broadcast_in_dim3A_3 {strides = array<i32>} : memref<1024xf32, #tpu.memory_space<vmem>>, vector<16xf32>,
    %neg3A_116 = arith.constant 0.000000e+00 : f32
    %neg3A_117 = vector.broadcast %neg3A_116 : f32 to vector<16xf32>
    %neg3A_118 = arith.subf %neg3A_117, %broadcast_in_dim3A_3 : vector<16xf32>
    %swap3A_119 = arith.constant 192 : index
    %swap3A_120 = tpu.vector_load %arg11[%swap3A_119] {strides = array<i32>} : memref<1024xf32, #tpu.memory_space<vmem>>, vector<16xf32>,
    tpu.vector_store %arg11[%swap3A_119], %neg3A_118 {strides = array<i32>} : memref<1024xf32, #tpu.memory_space<vmem>>, vector<16xf32>,
    %swap3A_121 = arith.constant 208 : index
    %swap3A_122 = tpu.vector_load %arg9[%swap3A_121] {strides = array<i32>} : memref<1024xf32, #tpu.memory_space<vmem>>, vector<16xf32>,
    tpu.vector_store %arg9[%swap3A_121], %broadcast_in_dim3A_5 {strides = array<i32>} : memref<1024xf32, #tpu.memory_space<vmem>>, vector<16xf32>,
    %swap3A_123 = arith.constant 208 : index
    %swap3A_124 = tpu.vector_load %arg10[%swap3A_123] {strides = array<i32>} : memref<1024xf32, #tpu.memory_space<vmem>>, vector<16xf32>,
    tpu.vector_store %arg10[%swap3A_123], %broadcast_in_dim3A_3 {strides = array<i32>} : memref<1024xf32, #tpu.memory_space<vmem>>, vector<16xf32>,
    %neg3A_125 = arith.constant 0.000000e+00 : f32
    %neg3A_126 = vector.broadcast %neg3A_125 : f32 to vector<16xf32>
    %neg3A_127 = arith.subf %neg3A_126, %broadcast_in_dim3A_3 : vector<16xf32>
    %swap3A_128 = arith.constant 208 : index
    %swap3A_129 = tpu.vector_load %arg11[%swap3A_128] {strides = array<i32>} : memref<1024xf32, #tpu.memory_space<vmem>>, vector<16xf32>,
    tpu.vector_store %arg11[%swap3A_128], %neg3A_127 {strides = array<i32>} : memref<1024xf32, #tpu.memory_space<vmem>>, vector<16xf32>,
    %swap3A_130 = arith.constant 224 : index
    %swap3A_131 = tpu.vector_load %arg9[%swap3A_130] {strides = array<i32>} : memref<1024xf32, #tpu.memory_space<vmem>>, vector<16xf32>,
    tpu.vector_store %arg9[%swap3A_130], %broadcast_in_dim3A_5 {strides = array<i32>} : memref<1024xf32, #tpu.memory_space<vmem>>, vector<16xf32>,
    %swap3A_132 = arith.constant 224 : index
    %swap3A_133 = tpu.vector_load %arg10[%swap3A_132] {strides = array<i32>} : memref<1024xf32, #tpu.memory_space<vmem>>, vector<16xf32>,
    tpu.vector_store %arg10[%swap3A_132], %broadcast_in_dim3A_3 {strides = array<i32>} : memref<1024xf32, #tpu.memory_space<vmem>>, vector<16xf32>,
    %neg3A_134 = arith.constant 0.000000e+00 : f32
    %neg3A_135 = vector.broadcast %neg3A_134 : f32 to vector<16xf32>
    %neg3A_136 = arith.subf %neg3A_135, %broadcast_in_dim3A_3 : vector<16xf32>
    %swap3A_137 = arith.constant 224 : index
    %swap3A_138 = tpu.vector_load %arg11[%swap3A_137] {strides = array<i32>} : memref<1024xf32, #tpu.memory_space<vmem>>, vector<16xf32>,
    tpu.vector_store %arg11[%swap3A_137], %neg3A_136 {strides = array<i32>} : memref<1024xf32, #tpu.memory_space<vmem>>, vector<16xf32>,
    %swap3A_139 = arith.constant 240 : index
    %swap3A_140 = tpu.vector_load %arg9[%swap3A_139] {strides = array<i32>} : memref<1024xf32, #tpu.memory_space<vmem>>, vector<16xf32>,
    tpu.vector_store %arg9[%swap3A_139], %broadcast_in_dim3A_5 {strides = array<i32>} : memref<1024xf32, #tpu.memory_space<vmem>>, vector<16xf32>,
    %swap3A_141 = arith.constant 240 : index
    %swap3A_142 = tpu.vector_load %arg10[%swap3A_141] {strides = array<i32>} : memref<1024xf32, #tpu.memory_space<vmem>>, vector<16xf32>,
    tpu.vector_store %arg10[%swap3A_141], %broadcast_in_dim3A_3 {strides = array<i32>} : memref<1024xf32, #tpu.memory_space<vmem>>, vector<16xf32>,
    %neg3A_143 = arith.constant 0.000000e+00 : f32
    %neg3A_144 = vector.broadcast %neg3A_143 : f32 to vector<16xf32>
    %neg3A_145 = arith.subf %neg3A_144, %broadcast_in_dim3A_3 : vector<16xf32>
    %swap3A_146 = arith.constant 240 : index
    %swap3A_147 = tpu.vector_load %arg11[%swap3A_146] {strides = array<i32>} : memref<1024xf32, #tpu.memory_space<vmem>>, vector<16xf32>,
    tpu.vector_store %arg11[%swap3A_146], %neg3A_145 {strides = array<i32>} : memref<1024xf32, #tpu.memory_space<vmem>>, vector<16xf32>,
    %swap3A_148 = arith.constant 256 : index
    %swap3A_149 = tpu.vector_load %arg9[%swap3A_148] {strides = array<i32>} : memref<1024xf32, #tpu.memory_space<vmem>>, vector<16xf32>,
    tpu.vector_store %arg9[%swap3A_148], %broadcast_in_dim3A_5 {strides = array<i32>} : memref<1024xf32, #tpu.memory_space<vmem>>, vector<16xf32>,
    %swap3A_150 = arith.constant 256 : index
    %swap3A_151 = tpu.vector_load %arg10[%swap3A_150] {strides = array<i32>} : memref<1024xf32, #tpu.memory_space<vmem>>, vector<16xf32>,
    tpu.vector_store %arg10[%swap3A_150], %broadcast_in_dim3A_3 {strides = array<i32>} : memref<1024xf32, #tpu.memory_space<vmem>>, vector<16xf32>,
    %neg3A_152 = arith.constant 0.000000e+00 : f32
    %neg3A_153 = vector.broadcast %neg3A_152 : f32 to vector<16xf32>
    %neg3A_154 = arith.subf %neg3A_153, %broadcast_in_dim3A_3 : vector<16xf32>
    %swap3A_155 = arith.constant 256 : index
    %swap3A_156 = tpu.vector_load %arg11[%swap3A_155] {strides = array<i32>} : memref<1024xf32, #tpu.memory_space<vmem>>, vector<16xf32>,
    tpu.vector_store %arg11[%swap3A_155], %neg3A_154 {strides = array<i32>} : memref<1024xf32, #tpu.memory_space<vmem>>, vector<16xf32>,
    %swap3A_157 = arith.constant 272 : index
    %swap3A_158 = tpu.vector_load %arg9[%swap3A_157] {strides = array<i32>} : memref<1024xf32, #tpu.memory_space<vmem>>, vector<16xf32>,
    tpu.vector_store %arg9[%swap3A_157], %broadcast_in_dim3A_5 {strides = array<i32>} : memref<1024xf32, #tpu.memory_space<vmem>>, vector<16xf32>,
    %swap3A_159 = arith.constant 272 : index
    %swap3A_160 = tpu.vector_load %arg10[%swap3A_159] {strides = array<i32>} : memref<1024xf32, #tpu.memory_space<vmem>>, vector<16xf32>,
    tpu.vector_store %arg10[%swap3A_159], %broadcast_in_dim3A_3 {strides = array<i32>} : memref<1024xf32, #tpu.memory_space<vmem>>, vector<16xf32>,
    %neg3A_161 = arith.constant 0.000000e+00 : f32
    %neg3A_162 = vector.broadcast %neg3A_161 : f32 to vector<16xf32>
    %neg3A_163 = arith.subf %neg3A_162, %broadcast_in_dim3A_3 : vector<16xf32>
    %swap3A_164 = arith.constant 272 : index
    %swap3A_165 = tpu.vector_load %arg11[%swap3A_164] {strides = array<i32>} : memref<1024xf32, #tpu.memory_space<vmem>>, vector<16xf32>,
    tpu.vector_store %arg11[%swap3A_164], %neg3A_163 {strides = array<i32>} : memref<1024xf32, #tpu.memory_space<vmem>>, vector<16xf32>,
    %swap3A_166 = arith.constant 288 : index
    %swap3A_167 = tpu.vector_load %arg9[%swap3A_166] {strides = array<i32>} : memref<1024xf32, #tpu.memory_space<vmem>>, vector<16xf32>,
    tpu.vector_store %arg9[%swap3A_166], %broadcast_in_dim3A_5 {strides = array<i32>} : memref<1024xf32, #tpu.memory_space<vmem>>, vector<16xf32>,
    %swap3A_168 = arith.constant 288 : index
    %swap3A_169 = tpu.vector_load %arg10[%swap3A_168] {strides = array<i32>} : memref<1024xf32, #tpu.memory_space<vmem>>, vector<16xf32>,
    tpu.vector_store %arg10[%swap3A_168], %broadcast_in_dim3A_3 {strides = array<i32>} : memref<1024xf32, #tpu.memory_space<vmem>>, vector<16xf32>,
    %neg3A_170 = arith.constant 0.000000e+00 : f32
    %neg3A_171 = vector.broadcast %neg3A_170 : f32 to vector<16xf32>
    %neg3A_172 = arith.subf %neg3A_171, %broadcast_in_dim3A_3 : vector<16xf32>
    %swap3A_173 = arith.constant 288 : index
    %swap3A_174 = tpu.vector_load %arg11[%swap3A_173] {strides = array<i32>} : memref<1024xf32, #tpu.memory_space<vmem>>, vector<16xf32>,
    tpu.vector_store %arg11[%swap3A_173], %neg3A_172 {strides = array<i32>} : memref<1024xf32, #tpu.memory_space<vmem>>, vector<16xf32>,
    %swap3A_175 = arith.constant 304 : index
    %swap3A_176 = tpu.vector_load %arg9[%swap3A_175] {strides = array<i32>} : memref<1024xf32, #tpu.memory_space<vmem>>, vector<16xf32>,
    tpu.vector_store %arg9[%swap3A_175], %broadcast_in_dim3A_5 {strides = array<i32>} : memref<1024xf32, #tpu.memory_space<vmem>>, vector<16xf32>,
    %swap3A_177 = arith.constant 304 : index
    %swap3A_178 = tpu.vector_load %arg10[%swap3A_177] {strides = array<i32>} : memref<1024xf32, #tpu.memory_space<vmem>>, vector<16xf32>,
    tpu.vector_store %arg10[%swap3A_177], %broadcast_in_dim3A_3 {strides = array<i32>} : memref<1024xf32, #tpu.memory_space<vmem>>, vector<16xf32>,
    %neg3A_179 = arith.constant 0.000000e+00 : f32
    %neg3A_180 = vector.broadcast %neg3A_179 : f32 to vector<16xf32>
    %neg3A_181 = arith.subf %neg3A_180, %broadcast_in_dim3A_3 : vector<16xf32>
    %swap3A_182 = arith.constant 304 : index
    %swap3A_183 = tpu.vector_load %arg11[%swap3A_182] {strides = array<i32>} : memref<1024xf32, #tpu.memory_space<vmem>>, vector<16xf32>,
    tpu.vector_store %arg11[%swap3A_182], %neg3A_181 {strides = array<i32>} : memref<1024xf32, #tpu.memory_space<vmem>>, vector<16xf32>,
    %swap3A_184 = arith.constant 320 : index
    %swap3A_185 = tpu.vector_load %arg9[%swap3A_184] {strides = array<i32>} : memref<1024xf32, #tpu.memory_space<vmem>>, vector<16xf32>,
    tpu.vector_store %arg9[%swap3A_184], %broadcast_in_dim3A_5 {strides = array<i32>} : memref<1024xf32, #tpu.memory_space<vmem>>, vector<16xf32>,
    %swap3A_186 = arith.constant 320 : index
    %swap3A_187 = tpu.vector_load %arg10[%swap3A_186] {strides = array<i32>} : memref<1024xf32, #tpu.memory_space<vmem>>, vector<16xf32>,
    tpu.vector_store %arg10[%swap3A_186], %broadcast_in_dim3A_3 {strides = array<i32>} : memref<1024xf32, #tpu.memory_space<vmem>>, vector<16xf32>,
    %neg3A_188 = arith.constant 0.000000e+00 : f32
    %neg3A_189 = vector.broadcast %neg3A_188 : f32 to vector<16xf32>
    %neg3A_190 = arith.subf %neg3A_189, %broadcast_in_dim3A_3 : vector<16xf32>
    %swap3A_191 = arith.constant 320 : index
    %swap3A_192 = tpu.vector_load %arg11[%swap3A_191] {strides = array<i32>} : memref<1024xf32, #tpu.memory_space<vmem>>, vector<16xf32>,
    tpu.vector_store %arg11[%swap3A_191], %neg3A_190 {strides = array<i32>} : memref<1024xf32, #tpu.memory_space<vmem>>, vector<16xf32>,
    %swap3A_193 = arith.constant 336 : index
    %swap3A_194 = tpu.vector_load %arg9[%swap3A_193] {strides = array<i32>} : memref<1024xf32, #tpu.memory_space<vmem>>, vector<16xf32>,
    tpu.vector_store %arg9[%swap3A_193], %broadcast_in_dim3A_5 {strides = array<i32>} : memref<1024xf32, #tpu.memory_space<vmem>>, vector<16xf32>,
    %swap3A_195 = arith.constant 336 : index
    %swap3A_196 = tpu.vector_load %arg10[%swap3A_195] {strides = array<i32>} : memref<1024xf32, #tpu.memory_space<vmem>>, vector<16xf32>,
    tpu.vector_store %arg10[%swap3A_195], %broadcast_in_dim3A_3 {strides = array<i32>} : memref<1024xf32, #tpu.memory_space<vmem>>, vector<16xf32>,
    %neg3A_197 = arith.constant 0.000000e+00 : f32
    %neg3A_198 = vector.broadcast %neg3A_197 : f32 to vector<16xf32>
    %neg3A_199 = arith.subf %neg3A_198, %broadcast_in_dim3A_3 : vector<16xf32>
    %swap3A_200 = arith.constant 336 : index
    %swap3A_201 = tpu.vector_load %arg11[%swap3A_200] {strides = array<i32>} : memref<1024xf32, #tpu.memory_space<vmem>>, vector<16xf32>,
    tpu.vector_store %arg11[%swap3A_200], %neg3A_199 {strides = array<i32>} : memref<1024xf32, #tpu.memory_space<vmem>>, vector<16xf32>,
    %swap3A_202 = arith.constant 352 : index
    %swap3A_203 = tpu.vector_load %arg9[%swap3A_202] {strides = array<i32>} : memref<1024xf32, #tpu.memory_space<vmem>>, vector<16xf32>,
    tpu.vector_store %arg9[%swap3A_202], %broadcast_in_dim3A_5 {strides = array<i32>} : memref<1024xf32, #tpu.memory_space<vmem>>, vector<16xf32>,
    %swap3A_204 = arith.constant 352 : index
    %swap3A_205 = tpu.vector_load %arg10[%swap3A_204] {strides = array<i32>} : memref<1024xf32, #tpu.memory_space<vmem>>, vector<16xf32>,
    tpu.vector_store %arg10[%swap3A_204], %broadcast_in_dim3A_3 {strides = array<i32>} : memref<1024xf32, #tpu.memory_space<vmem>>, vector<16xf32>,
    %neg3A_206 = arith.constant 0.000000e+00 : f32
    %neg3A_207 = vector.broadcast %neg3A_206 : f32 to vector<16xf32>
    %neg3A_208 = arith.subf %neg3A_207, %broadcast_in_dim3A_3 : vector<16xf32>
    %swap3A_209 = arith.constant 352 : index
    %swap3A_210 = tpu.vector_load %arg11[%swap3A_209] {strides = array<i32>} : memref<1024xf32, #tpu.memory_space<vmem>>, vector<16xf32>,
    tpu.vector_store %arg11[%swap3A_209], %neg3A_208 {strides = array<i32>} : memref<1024xf32, #tpu.memory_space<vmem>>, vector<16xf32>,
    %swap3A_211 = arith.constant 368 : index
    %swap3A_212 = tpu.vector_load %arg9[%swap3A_211] {strides = array<i32>} : memref<1024xf32, #tpu.memory_space<vmem>>, vector<16xf32>,
    tpu.vector_store %arg9[%swap3A_211], %broadcast_in_dim3A_5 {strides = array<i32>} : memref<1024xf32, #tpu.memory_space<vmem>>, vector<16xf32>,
    %swap3A_213 = arith.constant 368 : index
    %swap3A_214 = tpu.vector_load %arg10[%swap3A_213] {strides = array<i32>} : memref<1024xf32, #tpu.memory_space<vmem>>, vector<16xf32>,
    tpu.vector_store %arg10[%swap3A_213], %broadcast_in_dim3A_3 {strides = array<i32>} : memref<1024xf32, #tpu.memory_space<vmem>>, vector<16xf32>,
    %neg3A_215 = arith.constant 0.000000e+00 : f32
    %neg3A_216 = vector.broadcast %neg3A_215 : f32 to vector<16xf32>
    %neg3A_217 = arith.subf %neg3A_216, %broadcast_in_dim3A_3 : vector<16xf32>
    %swap3A_218 = arith.constant 368 : index
    %swap3A_219 = tpu.vector_load %arg11[%swap3A_218] {strides = array<i32>} : memref<1024xf32, #tpu.memory_space<vmem>>, vector<16xf32>,
    tpu.vector_store %arg11[%swap3A_218], %neg3A_217 {strides = array<i32>} : memref<1024xf32, #tpu.memory_space<vmem>>, vector<16xf32>,
    %swap3A_220 = arith.constant 384 : index
    %swap3A_221 = tpu.vector_load %arg9[%swap3A_220] {strides = array<i32>} : memref<1024xf32, #tpu.memory_space<vmem>>, vector<16xf32>,
    tpu.vector_store %arg9[%swap3A_220], %broadcast_in_dim3A_5 {strides = array<i32>} : memref<1024xf32, #tpu.memory_space<vmem>>, vector<16xf32>,
    %swap3A_222 = arith.constant 384 : index
    %swap3A_223 = tpu.vector_load %arg10[%swap3A_222] {strides = array<i32>} : memref<1024xf32, #tpu.memory_space<vmem>>, vector<16xf32>,
    tpu.vector_store %arg10[%swap3A_222], %broadcast_in_dim3A_3 {strides = array<i32>} : memref<1024xf32, #tpu.memory_space<vmem>>, vector<16xf32>,
    %neg3A_224 = arith.constant 0.000000e+00 : f32
    %neg3A_225 = vector.broadcast %neg3A_224 : f32 to vector<16xf32>
    %neg3A_226 = arith.subf %neg3A_225, %broadcast_in_dim3A_3 : vector<16xf32>
    %swap3A_227 = arith.constant 384 : index
    %swap3A_228 = tpu.vector_load %arg11[%swap3A_227] {strides = array<i32>} : memref<1024xf32, #tpu.memory_space<vmem>>, vector<16xf32>,
    tpu.vector_store %arg11[%swap3A_227], %neg3A_226 {strides = array<i32>} : memref<1024xf32, #tpu.memory_space<vmem>>, vector<16xf32>,
    %swap3A_229 = arith.constant 400 : index
    %swap3A_230 = tpu.vector_load %arg9[%swap3A_229] {strides = array<i32>} : memref<1024xf32, #tpu.memory_space<vmem>>, vector<16xf32>,
    tpu.vector_store %arg9[%swap3A_229], %broadcast_in_dim3A_5 {strides = array<i32>} : memref<1024xf32, #tpu.memory_space<vmem>>, vector<16xf32>,
    %swap3A_231 = arith.constant 400 : index
    %swap3A_232 = tpu.vector_load %arg10[%swap3A_231] {strides = array<i32>} : memref<1024xf32, #tpu.memory_space<vmem>>, vector<16xf32>,
    tpu.vector_store %arg10[%swap3A_231], %broadcast_in_dim3A_3 {strides = array<i32>} : memref<1024xf32, #tpu.memory_space<vmem>>, vector<16xf32>,
    %neg3A_233 = arith.constant 0.000000e+00 : f32
    %neg3A_234 = vector.broadcast %neg3A_233 : f32 to vector<16xf32>
    %neg3A_235 = arith.subf %neg3A_234, %broadcast_in_dim3A_3 : vector<16xf32>
    %swap3A_236 = arith.constant 400 : index
    %swap3A_237 = tpu.vector_load %arg11[%swap3A_236] {strides = array<i32>} : memref<1024xf32, #tpu.memory_space<vmem>>, vector<16xf32>,
    tpu.vector_store %arg11[%swap3A_236], %neg3A_235 {strides = array<i32>} : memref<1024xf32, #tpu.memory_space<vmem>>, vector<16xf32>,
    %swap3A_238 = arith.constant 416 : index
    %swap3A_239 = tpu.vector_load %arg9[%swap3A_238] {strides = array<i32>} : memref<1024xf32, #tpu.memory_space<vmem>>, vector<16xf32>,
    tpu.vector_store %arg9[%swap3A_238], %broadcast_in_dim3A_5 {strides = array<i32>} : memref<1024xf32, #tpu.memory_space<vmem>>, vector<16xf32>,
    %swap3A_240 = arith.constant 416 : index
    %swap3A_241 = tpu.vector_load %arg10[%swap3A_240] {strides = array<i32>} : memref<1024xf32, #tpu.memory_space<vmem>>, vector<16xf32>,
    tpu.vector_store %arg10[%swap3A_240], %broadcast_in_dim3A_3 {strides = array<i32>} : memref<1024xf32, #tpu.memory_space<vmem>>, vector<16xf32>,
    %neg3A_242 = arith.constant 0.000000e+00 : f32
    %neg3A_243 = vector.broadcast %neg3A_242 : f32 to vector<16xf32>
    %neg3A_244 = arith.subf %neg3A_243, %broadcast_in_dim3A_3 : vector<16xf32>
    %swap3A_245 = arith.constant 416 : index
    %swap3A_246 = tpu.vector_load %arg11[%swap3A_245] {strides = array<i32>} : memref<1024xf32, #tpu.memory_space<vmem>>, vector<16xf32>,
    tpu.vector_store %arg11[%swap3A_245], %neg3A_244 {strides = array<i32>} : memref<1024xf32, #tpu.memory_space<vmem>>, vector<16xf32>,
    %swap3A_247 = arith.constant 432 : index
    %swap3A_248 = tpu.vector_load %arg9[%swap3A_247] {strides = array<i32>} : memref<1024xf32, #tpu.memory_space<vmem>>, vector<16xf32>,
    tpu.vector_store %arg9[%swap3A_247], %broadcast_in_dim3A_5 {strides = array<i32>} : memref<1024xf32, #tpu.memory_space<vmem>>, vector<16xf32>,
    %swap3A_249 = arith.constant 432 : index
    %swap3A_250 = tpu.vector_load %arg10[%swap3A_249] {strides = array<i32>} : memref<1024xf32, #tpu.memory_space<vmem>>, vector<16xf32>,
    tpu.vector_store %arg10[%swap3A_249], %broadcast_in_dim3A_3 {strides = array<i32>} : memref<1024xf32, #tpu.memory_space<vmem>>, vector<16xf32>,
    %neg3A_251 = arith.constant 0.000000e+00 : f32
    %neg3A_252 = vector.broadcast %neg3A_251 : f32 to vector<16xf32>
    %neg3A_253 = arith.subf %neg3A_252, %broadcast_in_dim3A_3 : vector<16xf32>
    %swap3A_254 = arith.constant 432 : index
    %swap3A_255 = tpu.vector_load %arg11[%swap3A_254] {strides = array<i32>} : memref<1024xf32, #tpu.memory_space<vmem>>, vector<16xf32>,
    tpu.vector_store %arg11[%swap3A_254], %neg3A_253 {strides = array<i32>} : memref<1024xf32, #tpu.memory_space<vmem>>, vector<16xf32>,
    %swap3A_256 = arith.constant 448 : index
    %swap3A_257 = tpu.vector_load %arg9[%swap3A_256] {strides = array<i32>} : memref<1024xf32, #tpu.memory_space<vmem>>, vector<16xf32>,
    tpu.vector_store %arg9[%swap3A_256], %broadcast_in_dim3A_5 {strides = array<i32>} : memref<1024xf32, #tpu.memory_space<vmem>>, vector<16xf32>,
    %swap3A_258 = arith.constant 448 : index
    %swap3A_259 = tpu.vector_load %arg10[%swap3A_258] {strides = array<i32>} : memref<1024xf32, #tpu.memory_space<vmem>>, vector<16xf32>,
    tpu.vector_store %arg10[%swap3A_258], %broadcast_in_dim3A_3 {strides = array<i32>} : memref<1024xf32, #tpu.memory_space<vmem>>, vector<16xf32>,
    %neg3A_260 = arith.constant 0.000000e+00 : f32
    %neg3A_261 = vector.broadcast %neg3A_260 : f32 to vector<16xf32>
    %neg3A_262 = arith.subf %neg3A_261, %broadcast_in_dim3A_3 : vector<16xf32>
    %swap3A_263 = arith.constant 448 : index
    %swap3A_264 = tpu.vector_load %arg11[%swap3A_263] {strides = array<i32>} : memref<1024xf32, #tpu.memory_space<vmem>>, vector<16xf32>,
    tpu.vector_store %arg11[%swap3A_263], %neg3A_262 {strides = array<i32>} : memref<1024xf32, #tpu.memory_space<vmem>>, vector<16xf32>,
    %swap3A_265 = arith.constant 464 : index
    %swap3A_266 = tpu.vector_load %arg9[%swap3A_265] {strides = array<i32>} : memref<1024xf32, #tpu.memory_space<vmem>>, vector<16xf32>,
    tpu.vector_store %arg9[%swap3A_265], %broadcast_in_dim3A_5 {strides = array<i32>} : memref<1024xf32, #tpu.memory_space<vmem>>, vector<16xf32>,
    %swap3A_267 = arith.constant 464 : index
    %swap3A_268 = tpu.vector_load %arg10[%swap3A_267] {strides = array<i32>} : memref<1024xf32, #tpu.memory_space<vmem>>, vector<16xf32>,
    tpu.vector_store %arg10[%swap3A_267], %broadcast_in_dim3A_3 {strides = array<i32>} : memref<1024xf32, #tpu.memory_space<vmem>>, vector<16xf32>,
    %neg3A_269 = arith.constant 0.000000e+00 : f32
    %neg3A_270 = vector.broadcast %neg3A_269 : f32 to vector<16xf32>
    %neg3A_271 = arith.subf %neg3A_270, %broadcast_in_dim3A_3 : vector<16xf32>
    %swap3A_272 = arith.constant 464 : index
    %swap3A_273 = tpu.vector_load %arg11[%swap3A_272] {strides = array<i32>} : memref<1024xf32, #tpu.memory_space<vmem>>, vector<16xf32>,
    tpu.vector_store %arg11[%swap3A_272], %neg3A_271 {strides = array<i32>} : memref<1024xf32, #tpu.memory_space<vmem>>, vector<16xf32>,
    %swap3A_274 = arith.constant 480 : index
    %swap3A_275 = tpu.vector_load %arg9[%swap3A_274] {strides = array<i32>} : memref<1024xf32, #tpu.memory_space<vmem>>, vector<16xf32>,
    tpu.vector_store %arg9[%swap3A_274], %broadcast_in_dim3A_5 {strides = array<i32>} : memref<1024xf32, #tpu.memory_space<vmem>>, vector<16xf32>,
    %swap3A_276 = arith.constant 480 : index
    %swap3A_277 = tpu.vector_load %arg10[%swap3A_276] {strides = array<i32>} : memref<1024xf32, #tpu.memory_space<vmem>>, vector<16xf32>,
    tpu.vector_store %arg10[%swap3A_276], %broadcast_in_dim3A_3 {strides = array<i32>} : memref<1024xf32, #tpu.memory_space<vmem>>, vector<16xf32>,
    %neg3A_278 = arith.constant 0.000000e+00 : f32
    %neg3A_279 = vector.broadcast %neg3A_278 : f32 to vector<16xf32>
    %neg3A_280 = arith.subf %neg3A_279, %broadcast_in_dim3A_3 : vector<16xf32>
    %swap3A_281 = arith.constant 480 : index
    %swap3A_282 = tpu.vector_load %arg11[%swap3A_281] {strides = array<i32>} : memref<1024xf32, #tpu.memory_space<vmem>>, vector<16xf32>,
    tpu.vector_store %arg11[%swap3A_281], %neg3A_280 {strides = array<i32>} : memref<1024xf32, #tpu.memory_space<vmem>>, vector<16xf32>,
    %swap3A_283 = arith.constant 496 : index
    %swap3A_284 = tpu.vector_load %arg9[%swap3A_283] {strides = array<i32>} : memref<1024xf32, #tpu.memory_space<vmem>>, vector<16xf32>,
    tpu.vector_store %arg9[%swap3A_283], %broadcast_in_dim3A_5 {strides = array<i32>} : memref<1024xf32, #tpu.memory_space<vmem>>, vector<16xf32>,
    %swap3A_285 = arith.constant 496 : index
    %swap3A_286 = tpu.vector_load %arg10[%swap3A_285] {strides = array<i32>} : memref<1024xf32, #tpu.memory_space<vmem>>, vector<16xf32>,
    tpu.vector_store %arg10[%swap3A_285], %broadcast_in_dim3A_3 {strides = array<i32>} : memref<1024xf32, #tpu.memory_space<vmem>>, vector<16xf32>,
    %neg3A_287 = arith.constant 0.000000e+00 : f32
    %neg3A_288 = vector.broadcast %neg3A_287 : f32 to vector<16xf32>
    %neg3A_289 = arith.subf %neg3A_288, %broadcast_in_dim3A_3 : vector<16xf32>
    %swap3A_290 = arith.constant 496 : index
    %swap3A_291 = tpu.vector_load %arg11[%swap3A_290] {strides = array<i32>} : memref<1024xf32, #tpu.memory_space<vmem>>, vector<16xf32>,
    tpu.vector_store %arg11[%swap3A_290], %neg3A_289 {strides = array<i32>} : memref<1024xf32, #tpu.memory_space<vmem>>, vector<16xf32>,
    %swap3A_292 = arith.constant 512 : index
    %swap3A_293 = tpu.vector_load %arg9[%swap3A_292] {strides = array<i32>} : memref<1024xf32, #tpu.memory_space<vmem>>, vector<16xf32>,
    tpu.vector_store %arg9[%swap3A_292], %broadcast_in_dim3A_5 {strides = array<i32>} : memref<1024xf32, #tpu.memory_space<vmem>>, vector<16xf32>,
    %swap3A_294 = arith.constant 512 : index
    %swap3A_295 = tpu.vector_load %arg10[%swap3A_294] {strides = array<i32>} : memref<1024xf32, #tpu.memory_space<vmem>>, vector<16xf32>,
    tpu.vector_store %arg10[%swap3A_294], %broadcast_in_dim3A_3 {strides = array<i32>} : memref<1024xf32, #tpu.memory_space<vmem>>, vector<16xf32>,
    %neg3A_296 = arith.constant 0.000000e+00 : f32
    %neg3A_297 = vector.broadcast %neg3A_296 : f32 to vector<16xf32>
    %neg3A_298 = arith.subf %neg3A_297, %broadcast_in_dim3A_3 : vector<16xf32>
    %swap3A_299 = arith.constant 512 : index
    %swap3A_300 = tpu.vector_load %arg11[%swap3A_299] {strides = array<i32>} : memref<1024xf32, #tpu.memory_space<vmem>>, vector<16xf32>,
    tpu.vector_store %arg11[%swap3A_299], %neg3A_298 {strides = array<i32>} : memref<1024xf32, #tpu.memory_space<vmem>>, vector<16xf32>,
    %swap3A_301 = arith.constant 528 : index
    %swap3A_302 = tpu.vector_load %arg9[%swap3A_301] {strides = array<i32>} : memref<1024xf32, #tpu.memory_space<vmem>>, vector<16xf32>,
    tpu.vector_store %arg9[%swap3A_301], %broadcast_in_dim3A_5 {strides = array<i32>} : memref<1024xf32, #tpu.memory_space<vmem>>, vector<16xf32>,
    %swap3A_303 = arith.constant 528 : index
    %swap3A_304 = tpu.vector_load %arg10[%swap3A_303] {strides = array<i32>} : memref<1024xf32, #tpu.memory_space<vmem>>, vector<16xf32>,
    tpu.vector_store %arg10[%swap3A_303], %broadcast_in_dim3A_3 {strides = array<i32>} : memref<1024xf32, #tpu.memory_space<vmem>>, vector<16xf32>,
    %neg3A_305 = arith.constant 0.000000e+00 : f32
    %neg3A_306 = vector.broadcast %neg3A_305 : f32 to vector<16xf32>
    %neg3A_307 = arith.subf %neg3A_306, %broadcast_in_dim3A_3 : vector<16xf32>
    %swap3A_308 = arith.constant 528 : index
    %swap3A_309 = tpu.vector_load %arg11[%swap3A_308] {strides = array<i32>} : memref<1024xf32, #tpu.memory_space<vmem>>, vector<16xf32>,
    tpu.vector_store %arg11[%swap3A_308], %neg3A_307 {strides = array<i32>} : memref<1024xf32, #tpu.memory_space<vmem>>, vector<16xf32>,
    %swap3A_310 = arith.constant 544 : index
    %swap3A_311 = tpu.vector_load %arg9[%swap3A_310] {strides = array<i32>} : memref<1024xf32, #tpu.memory_space<vmem>>, vector<16xf32>,
    tpu.vector_store %arg9[%swap3A_310], %broadcast_in_dim3A_5 {strides = array<i32>} : memref<1024xf32, #tpu.memory_space<vmem>>, vector<16xf32>,
    %swap3A_312 = arith.constant 544 : index
    %swap3A_313 = tpu.vector_load %arg10[%swap3A_312] {strides = array<i32>} : memref<1024xf32, #tpu.memory_space<vmem>>, vector<16xf32>,
    tpu.vector_store %arg10[%swap3A_312], %broadcast_in_dim3A_3 {strides = array<i32>} : memref<1024xf32, #tpu.memory_space<vmem>>, vector<16xf32>,
    %neg3A_314 = arith.constant 0.000000e+00 : f32
    %neg3A_315 = vector.broadcast %neg3A_314 : f32 to vector<16xf32>
    %neg3A_316 = arith.subf %neg3A_315, %broadcast_in_dim3A_3 : vector<16xf32>
    %swap3A_317 = arith.constant 544 : index
    %swap3A_318 = tpu.vector_load %arg11[%swap3A_317] {strides = array<i32>} : memref<1024xf32, #tpu.memory_space<vmem>>, vector<16xf32>,
    tpu.vector_store %arg11[%swap3A_317], %neg3A_316 {strides = array<i32>} : memref<1024xf32, #tpu.memory_space<vmem>>, vector<16xf32>,
    %swap3A_319 = arith.constant 560 : index
    %swap3A_320 = tpu.vector_load %arg9[%swap3A_319] {strides = array<i32>} : memref<1024xf32, #tpu.memory_space<vmem>>, vector<16xf32>,
    tpu.vector_store %arg9[%swap3A_319], %broadcast_in_dim3A_5 {strides = array<i32>} : memref<1024xf32, #tpu.memory_space<vmem>>, vector<16xf32>,
    %swap3A_321 = arith.constant 560 : index
    %swap3A_322 = tpu.vector_load %arg10[%swap3A_321] {strides = array<i32>} : memref<1024xf32, #tpu.memory_space<vmem>>, vector<16xf32>,
    tpu.vector_store %arg10[%swap3A_321], %broadcast_in_dim3A_3 {strides = array<i32>} : memref<1024xf32, #tpu.memory_space<vmem>>, vector<16xf32>,
    %neg3A_323 = arith.constant 0.000000e+00 : f32
    %neg3A_324 = vector.broadcast %neg3A_323 : f32 to vector<16xf32>
    %neg3A_325 = arith.subf %neg3A_324, %broadcast_in_dim3A_3 : vector<16xf32>
    %swap3A_326 = arith.constant 560 : index
    %swap3A_327 = tpu.vector_load %arg11[%swap3A_326] {strides = array<i32>} : memref<1024xf32, #tpu.memory_space<vmem>>, vector<16xf32>,
    tpu.vector_store %arg11[%swap3A_326], %neg3A_325 {strides = array<i32>} : memref<1024xf32, #tpu.memory_space<vmem>>, vector<16xf32>,
    %swap3A_328 = arith.constant 576 : index
    %swap3A_329 = tpu.vector_load %arg9[%swap3A_328] {strides = array<i32>} : memref<1024xf32, #tpu.memory_space<vmem>>, vector<16xf32>,
    tpu.vector_store %arg9[%swap3A_328], %broadcast_in_dim3A_5 {strides = array<i32>} : memref<1024xf32, #tpu.memory_space<vmem>>, vector<16xf32>,
    %swap3A_330 = arith.constant 576 : index
    %swap3A_331 = tpu.vector_load %arg10[%swap3A_330] {strides = array<i32>} : memref<1024xf32, #tpu.memory_space<vmem>>, vector<16xf32>,
    tpu.vector_store %arg10[%swap3A_330], %broadcast_in_dim3A_3 {strides = array<i32>} : memref<1024xf32, #tpu.memory_space<vmem>>, vector<16xf32>,
    %neg3A_332 = arith.constant 0.000000e+00 : f32
    %neg3A_333 = vector.broadcast %neg3A_332 : f32 to vector<16xf32>
    %neg3A_334 = arith.subf %neg3A_333, %broadcast_in_dim3A_3 : vector<16xf32>
    %swap3A_335 = arith.constant 576 : index
    %swap3A_336 = tpu.vector_load %arg11[%swap3A_335] {strides = array<i32>} : memref<1024xf32, #tpu.memory_space<vmem>>, vector<16xf32>,
    tpu.vector_store %arg11[%swap3A_335], %neg3A_334 {strides = array<i32>} : memref<1024xf32, #tpu.memory_space<vmem>>, vector<16xf32>,
    %swap3A_337 = arith.constant 592 : index
    %swap3A_338 = tpu.vector_load %arg9[%swap3A_337] {strides = array<i32>} : memref<1024xf32, #tpu.memory_space<vmem>>, vector<16xf32>,
    tpu.vector_store %arg9[%swap3A_337], %broadcast_in_dim3A_5 {strides = array<i32>} : memref<1024xf32, #tpu.memory_space<vmem>>, vector<16xf32>,
    %swap3A_339 = arith.constant 592 : index
    %swap3A_340 = tpu.vector_load %arg10[%swap3A_339] {strides = array<i32>} : memref<1024xf32, #tpu.memory_space<vmem>>, vector<16xf32>,
    tpu.vector_store %arg10[%swap3A_339], %broadcast_in_dim3A_3 {strides = array<i32>} : memref<1024xf32, #tpu.memory_space<vmem>>, vector<16xf32>,
    %neg3A_341 = arith.constant 0.000000e+00 : f32
    %neg3A_342 = vector.broadcast %neg3A_341 : f32 to vector<16xf32>
    %neg3A_343 = arith.subf %neg3A_342, %broadcast_in_dim3A_3 : vector<16xf32>
    %swap3A_344 = arith.constant 592 : index
    %swap3A_345 = tpu.vector_load %arg11[%swap3A_344] {strides = array<i32>} : memref<1024xf32, #tpu.memory_space<vmem>>, vector<16xf32>,
    tpu.vector_store %arg11[%swap3A_344], %neg3A_343 {strides = array<i32>} : memref<1024xf32, #tpu.memory_space<vmem>>, vector<16xf32>,
    %swap3A_346 = arith.constant 608 : index
    %swap3A_347 = tpu.vector_load %arg9[%swap3A_346] {strides = array<i32>} : memref<1024xf32, #tpu.memory_space<vmem>>, vector<16xf32>,
    tpu.vector_store %arg9[%swap3A_346], %broadcast_in_dim3A_5 {strides = array<i32>} : memref<1024xf32, #tpu.memory_space<vmem>>, vector<16xf32>,
    %swap3A_348 = arith.constant 608 : index
    %swap3A_349 = tpu.vector_load %arg10[%swap3A_348] {strides = array<i32>} : memref<1024xf32, #tpu.memory_space<vmem>>, vector<16xf32>,
    tpu.vector_store %arg10[%swap3A_348], %broadcast_in_dim3A_3 {strides = array<i32>} : memref<1024xf32, #tpu.memory_space<vmem>>, vector<16xf32>,
    %neg3A_350 = arith.constant 0.000000e+00 : f32
    %neg3A_351 = vector.broadcast %neg3A_350 : f32 to vector<16xf32>
    %neg3A_352 = arith.subf %neg3A_351, %broadcast_in_dim3A_3 : vector<16xf32>
    %swap3A_353 = arith.constant 608 : index
    %swap3A_354 = tpu.vector_load %arg11[%swap3A_353] {strides = array<i32>} : memref<1024xf32, #tpu.memory_space<vmem>>, vector<16xf32>,
    tpu.vector_store %arg11[%swap3A_353], %neg3A_352 {strides = array<i32>} : memref<1024xf32, #tpu.memory_space<vmem>>, vector<16xf32>,
    %swap3A_355 = arith.constant 624 : index
    %swap3A_356 = tpu.vector_load %arg9[%swap3A_355] {strides = array<i32>} : memref<1024xf32, #tpu.memory_space<vmem>>, vector<16xf32>,
    tpu.vector_store %arg9[%swap3A_355], %broadcast_in_dim3A_5 {strides = array<i32>} : memref<1024xf32, #tpu.memory_space<vmem>>, vector<16xf32>,
    %swap3A_357 = arith.constant 624 : index
    %swap3A_358 = tpu.vector_load %arg10[%swap3A_357] {strides = array<i32>} : memref<1024xf32, #tpu.memory_space<vmem>>, vector<16xf32>,
    tpu.vector_store %arg10[%swap3A_357], %broadcast_in_dim3A_3 {strides = array<i32>} : memref<1024xf32, #tpu.memory_space<vmem>>, vector<16xf32>,
    %neg3A_359 = arith.constant 0.000000e+00 : f32
    %neg3A_360 = vector.broadcast %neg3A_359 : f32 to vector<16xf32>
    %neg3A_361 = arith.subf %neg3A_360, %broadcast_in_dim3A_3 : vector<16xf32>
    %swap3A_362 = arith.constant 624 : index
    %swap3A_363 = tpu.vector_load %arg11[%swap3A_362] {strides = array<i32>} : memref<1024xf32, #tpu.memory_space<vmem>>, vector<16xf32>,
    tpu.vector_store %arg11[%swap3A_362], %neg3A_361 {strides = array<i32>} : memref<1024xf32, #tpu.memory_space<vmem>>, vector<16xf32>,
    %swap3A_364 = arith.constant 640 : index
    %swap3A_365 = tpu.vector_load %arg9[%swap3A_364] {strides = array<i32>} : memref<1024xf32, #tpu.memory_space<vmem>>, vector<16xf32>,
    tpu.vector_store %arg9[%swap3A_364], %broadcast_in_dim3A_5 {strides = array<i32>} : memref<1024xf32, #tpu.memory_space<vmem>>, vector<16xf32>,
    %swap3A_366 = arith.constant 640 : index
    %swap3A_367 = tpu.vector_load %arg10[%swap3A_366] {strides = array<i32>} : memref<1024xf32, #tpu.memory_space<vmem>>, vector<16xf32>,
    tpu.vector_store %arg10[%swap3A_366], %broadcast_in_dim3A_3 {strides = array<i32>} : memref<1024xf32, #tpu.memory_space<vmem>>, vector<16xf32>,
    %neg3A_368 = arith.constant 0.000000e+00 : f32
    %neg3A_369 = vector.broadcast %neg3A_368 : f32 to vector<16xf32>
    %neg3A_370 = arith.subf %neg3A_369, %broadcast_in_dim3A_3 : vector<16xf32>
    %swap3A_371 = arith.constant 640 : index
    %swap3A_372 = tpu.vector_load %arg11[%swap3A_371] {strides = array<i32>} : memref<1024xf32, #tpu.memory_space<vmem>>, vector<16xf32>,
    tpu.vector_store %arg11[%swap3A_371], %neg3A_370 {strides = array<i32>} : memref<1024xf32, #tpu.memory_space<vmem>>, vector<16xf32>,
    %swap3A_373 = arith.constant 656 : index
    %swap3A_374 = tpu.vector_load %arg9[%swap3A_373] {strides = array<i32>} : memref<1024xf32, #tpu.memory_space<vmem>>, vector<16xf32>,
    tpu.vector_store %arg9[%swap3A_373], %broadcast_in_dim3A_5 {strides = array<i32>} : memref<1024xf32, #tpu.memory_space<vmem>>, vector<16xf32>,
    %swap3A_375 = arith.constant 656 : index
    %swap3A_376 = tpu.vector_load %arg10[%swap3A_375] {strides = array<i32>} : memref<1024xf32, #tpu.memory_space<vmem>>, vector<16xf32>,
    tpu.vector_store %arg10[%swap3A_375], %broadcast_in_dim3A_3 {strides = array<i32>} : memref<1024xf32, #tpu.memory_space<vmem>>, vector<16xf32>,
    %neg3A_377 = arith.constant 0.000000e+00 : f32
    %neg3A_378 = vector.broadcast %neg3A_377 : f32 to vector<16xf32>
    %neg3A_379 = arith.subf %neg3A_378, %broadcast_in_dim3A_3 : vector<16xf32>
    %swap3A_380 = arith.constant 656 : index
    %swap3A_381 = tpu.vector_load %arg11[%swap3A_380] {strides = array<i32>} : memref<1024xf32, #tpu.memory_space<vmem>>, vector<16xf32>,
    tpu.vector_store %arg11[%swap3A_380], %neg3A_379 {strides = array<i32>} : memref<1024xf32, #tpu.memory_space<vmem>>, vector<16xf32>,
    %swap3A_382 = arith.constant 672 : index
    %swap3A_383 = tpu.vector_load %arg9[%swap3A_382] {strides = array<i32>} : memref<1024xf32, #tpu.memory_space<vmem>>, vector<16xf32>,
    tpu.vector_store %arg9[%swap3A_382], %broadcast_in_dim3A_5 {strides = array<i32>} : memref<1024xf32, #tpu.memory_space<vmem>>, vector<16xf32>,
    %swap3A_384 = arith.constant 672 : index
    %swap3A_385 = tpu.vector_load %arg10[%swap3A_384] {strides = array<i32>} : memref<1024xf32, #tpu.memory_space<vmem>>, vector<16xf32>,
    tpu.vector_store %arg10[%swap3A_384], %broadcast_in_dim3A_3 {strides = array<i32>} : memref<1024xf32, #tpu.memory_space<vmem>>, vector<16xf32>,
    %neg3A_386 = arith.constant 0.000000e+00 : f32
    %neg3A_387 = vector.broadcast %neg3A_386 : f32 to vector<16xf32>
    %neg3A_388 = arith.subf %neg3A_387, %broadcast_in_dim3A_3 : vector<16xf32>
    %swap3A_389 = arith.constant 672 : index
    %swap3A_390 = tpu.vector_load %arg11[%swap3A_389] {strides = array<i32>} : memref<1024xf32, #tpu.memory_space<vmem>>, vector<16xf32>,
    tpu.vector_store %arg11[%swap3A_389], %neg3A_388 {strides = array<i32>} : memref<1024xf32, #tpu.memory_space<vmem>>, vector<16xf32>,
    %swap3A_391 = arith.constant 688 : index
    %swap3A_392 = tpu.vector_load %arg9[%swap3A_391] {strides = array<i32>} : memref<1024xf32, #tpu.memory_space<vmem>>, vector<16xf32>,
    tpu.vector_store %arg9[%swap3A_391], %broadcast_in_dim3A_5 {strides = array<i32>} : memref<1024xf32, #tpu.memory_space<vmem>>, vector<16xf32>,
    %swap3A_393 = arith.constant 688 : index
    %swap3A_394 = tpu.vector_load %arg10[%swap3A_393] {strides = array<i32>} : memref<1024xf32, #tpu.memory_space<vmem>>, vector<16xf32>,
    tpu.vector_store %arg10[%swap3A_393], %broadcast_in_dim3A_3 {strides = array<i32>} : memref<1024xf32, #tpu.memory_space<vmem>>, vector<16xf32>,
    %neg3A_395 = arith.constant 0.000000e+00 : f32
    %neg3A_396 = vector.broadcast %neg3A_395 : f32 to vector<16xf32>
    %neg3A_397 = arith.subf %neg3A_396, %broadcast_in_dim3A_3 : vector<16xf32>
    %swap3A_398 = arith.constant 688 : index
    %swap3A_399 = tpu.vector_load %arg11[%swap3A_398] {strides = array<i32>} : memref<1024xf32, #tpu.memory_space<vmem>>, vector<16xf32>,
    tpu.vector_store %arg11[%swap3A_398], %neg3A_397 {strides = array<i32>} : memref<1024xf32, #tpu.memory_space<vmem>>, vector<16xf32>,
    %swap3A_400 = arith.constant 704 : index
    %swap3A_401 = tpu.vector_load %arg9[%swap3A_400] {strides = array<i32>} : memref<1024xf32, #tpu.memory_space<vmem>>, vector<16xf32>,
    tpu.vector_store %arg9[%swap3A_400], %broadcast_in_dim3A_5 {strides = array<i32>} : memref<1024xf32, #tpu.memory_space<vmem>>, vector<16xf32>,
    %swap3A_402 = arith.constant 704 : index
    %swap3A_403 = tpu.vector_load %arg10[%swap3A_402] {strides = array<i32>} : memref<1024xf32, #tpu.memory_space<vmem>>, vector<16xf32>,
    tpu.vector_store %arg10[%swap3A_402], %broadcast_in_dim3A_3 {strides = array<i32>} : memref<1024xf32, #tpu.memory_space<vmem>>, vector<16xf32>,
    %neg3A_404 = arith.constant 0.000000e+00 : f32
    %neg3A_405 = vector.broadcast %neg3A_404 : f32 to vector<16xf32>
    %neg3A_406 = arith.subf %neg3A_405, %broadcast_in_dim3A_3 : vector<16xf32>
    %swap3A_407 = arith.constant 704 : index
    %swap3A_408 = tpu.vector_load %arg11[%swap3A_407] {strides = array<i32>} : memref<1024xf32, #tpu.memory_space<vmem>>, vector<16xf32>,
    tpu.vector_store %arg11[%swap3A_407], %neg3A_406 {strides = array<i32>} : memref<1024xf32, #tpu.memory_space<vmem>>, vector<16xf32>,
    %swap3A_409 = arith.constant 720 : index
    %swap3A_410 = tpu.vector_load %arg9[%swap3A_409] {strides = array<i32>} : memref<1024xf32, #tpu.memory_space<vmem>>, vector<16xf32>,
    tpu.vector_store %arg9[%swap3A_409], %broadcast_in_dim3A_5 {strides = array<i32>} : memref<1024xf32, #tpu.memory_space<vmem>>, vector<16xf32>,
    %swap3A_411 = arith.constant 720 : index
    %swap3A_412 = tpu.vector_load %arg10[%swap3A_411] {strides = array<i32>} : memref<1024xf32, #tpu.memory_space<vmem>>, vector<16xf32>,
    tpu.vector_store %arg10[%swap3A_411], %broadcast_in_dim3A_3 {strides = array<i32>} : memref<1024xf32, #tpu.memory_space<vmem>>, vector<16xf32>,
    %neg3A_413 = arith.constant 0.000000e+00 : f32
    %neg3A_414 = vector.broadcast %neg3A_413 : f32 to vector<16xf32>
    %neg3A_415 = arith.subf %neg3A_414, %broadcast_in_dim3A_3 : vector<16xf32>
    %swap3A_416 = arith.constant 720 : index
    %swap3A_417 = tpu.vector_load %arg11[%swap3A_416] {strides = array<i32>} : memref<1024xf32, #tpu.memory_space<vmem>>, vector<16xf32>,
    tpu.vector_store %arg11[%swap3A_416], %neg3A_415 {strides = array<i32>} : memref<1024xf32, #tpu.memory_space<vmem>>, vector<16xf32>,
    %swap3A_418 = arith.constant 736 : index
    %swap3A_419 = tpu.vector_load %arg9[%swap3A_418] {strides = array<i32>} : memref<1024xf32, #tpu.memory_space<vmem>>, vector<16xf32>,
    tpu.vector_store %arg9[%swap3A_418], %broadcast_in_dim3A_5 {strides = array<i32>} : memref<1024xf32, #tpu.memory_space<vmem>>, vector<16xf32>,
    %swap3A_420 = arith.constant 736 : index
    %swap3A_421 = tpu.vector_load %arg10[%swap3A_420] {strides = array<i32>} : memref<1024xf32, #tpu.memory_space<vmem>>, vector<16xf32>,
    tpu.vector_store %arg10[%swap3A_420], %broadcast_in_dim3A_3 {strides = array<i32>} : memref<1024xf32, #tpu.memory_space<vmem>>, vector<16xf32>,
    %neg3A_422 = arith.constant 0.000000e+00 : f32
    %neg3A_423 = vector.broadcast %neg3A_422 : f32 to vector<16xf32>
    %neg3A_424 = arith.subf %neg3A_423, %broadcast_in_dim3A_3 : vector<16xf32>
    %swap3A_425 = arith.constant 736 : index
    %swap3A_426 = tpu.vector_load %arg11[%swap3A_425] {strides = array<i32>} : memref<1024xf32, #tpu.memory_space<vmem>>, vector<16xf32>,
    tpu.vector_store %arg11[%swap3A_425], %neg3A_424 {strides = array<i32>} : memref<1024xf32, #tpu.memory_space<vmem>>, vector<16xf32>,
    %swap3A_427 = arith.constant 752 : index
    %swap3A_428 = tpu.vector_load %arg9[%swap3A_427] {strides = array<i32>} : memref<1024xf32, #tpu.memory_space<vmem>>, vector<16xf32>,
    tpu.vector_store %arg9[%swap3A_427], %broadcast_in_dim3A_5 {strides = array<i32>} : memref<1024xf32, #tpu.memory_space<vmem>>, vector<16xf32>,
    %swap3A_429 = arith.constant 752 : index
    %swap3A_430 = tpu.vector_load %arg10[%swap3A_429] {strides = array<i32>} : memref<1024xf32, #tpu.memory_space<vmem>>, vector<16xf32>,
    tpu.vector_store %arg10[%swap3A_429], %broadcast_in_dim3A_3 {strides = array<i32>} : memref<1024xf32, #tpu.memory_space<vmem>>, vector<16xf32>,
    %neg3A_431 = arith.constant 0.000000e+00 : f32
    %neg3A_432 = vector.broadcast %neg3A_431 : f32 to vector<16xf32>
    %neg3A_433 = arith.subf %neg3A_432, %broadcast_in_dim3A_3 : vector<16xf32>
    %swap3A_434 = arith.constant 752 : index
    %swap3A_435 = tpu.vector_load %arg11[%swap3A_434] {strides = array<i32>} : memref<1024xf32, #tpu.memory_space<vmem>>, vector<16xf32>,
    tpu.vector_store %arg11[%swap3A_434], %neg3A_433 {strides = array<i32>} : memref<1024xf32, #tpu.memory_space<vmem>>, vector<16xf32>,
    %swap3A_436 = arith.constant 768 : index
    %swap3A_437 = tpu.vector_load %arg9[%swap3A_436] {strides = array<i32>} : memref<1024xf32, #tpu.memory_space<vmem>>, vector<16xf32>,
    tpu.vector_store %arg9[%swap3A_436], %broadcast_in_dim3A_5 {strides = array<i32>} : memref<1024xf32, #tpu.memory_space<vmem>>, vector<16xf32>,
    %swap3A_438 = arith.constant 768 : index
    %swap3A_439 = tpu.vector_load %arg10[%swap3A_438] {strides = array<i32>} : memref<1024xf32, #tpu.memory_space<vmem>>, vector<16xf32>,
    tpu.vector_store %arg10[%swap3A_438], %broadcast_in_dim3A_3 {strides = array<i32>} : memref<1024xf32, #tpu.memory_space<vmem>>, vector<16xf32>,
    %neg3A_440 = arith.constant 0.000000e+00 : f32
    %neg3A_441 = vector.broadcast %neg3A_440 : f32 to vector<16xf32>
    %neg3A_442 = arith.subf %neg3A_441, %broadcast_in_dim3A_3 : vector<16xf32>
    %swap3A_443 = arith.constant 768 : index
    %swap3A_444 = tpu.vector_load %arg11[%swap3A_443] {strides = array<i32>} : memref<1024xf32, #tpu.memory_space<vmem>>, vector<16xf32>,
    tpu.vector_store %arg11[%swap3A_443], %neg3A_442 {strides = array<i32>} : memref<1024xf32, #tpu.memory_space<vmem>>, vector<16xf32>,
    %swap3A_445 = arith.constant 784 : index
    %swap3A_446 = tpu.vector_load %arg9[%swap3A_445] {strides = array<i32>} : memref<1024xf32, #tpu.memory_space<vmem>>, vector<16xf32>,
    tpu.vector_store %arg9[%swap3A_445], %broadcast_in_dim3A_5 {strides = array<i32>} : memref<1024xf32, #tpu.memory_space<vmem>>, vector<16xf32>,
    %swap3A_447 = arith.constant 784 : index
    %swap3A_448 = tpu.vector_load %arg10[%swap3A_447] {strides = array<i32>} : memref<1024xf32, #tpu.memory_space<vmem>>, vector<16xf32>,
    tpu.vector_store %arg10[%swap3A_447], %broadcast_in_dim3A_3 {strides = array<i32>} : memref<1024xf32, #tpu.memory_space<vmem>>, vector<16xf32>,
    %neg3A_449 = arith.constant 0.000000e+00 : f32
    %neg3A_450 = vector.broadcast %neg3A_449 : f32 to vector<16xf32>
    %neg3A_451 = arith.subf %neg3A_450, %broadcast_in_dim3A_3 : vector<16xf32>
    %swap3A_452 = arith.constant 784 : index
    %swap3A_453 = tpu.vector_load %arg11[%swap3A_452] {strides = array<i32>} : memref<1024xf32, #tpu.memory_space<vmem>>, vector<16xf32>,
    tpu.vector_store %arg11[%swap3A_452], %neg3A_451 {strides = array<i32>} : memref<1024xf32, #tpu.memory_space<vmem>>, vector<16xf32>,
    %swap3A_454 = arith.constant 800 : index
    %swap3A_455 = tpu.vector_load %arg9[%swap3A_454] {strides = array<i32>} : memref<1024xf32, #tpu.memory_space<vmem>>, vector<16xf32>,
    tpu.vector_store %arg9[%swap3A_454], %broadcast_in_dim3A_5 {strides = array<i32>} : memref<1024xf32, #tpu.memory_space<vmem>>, vector<16xf32>,
    %swap3A_456 = arith.constant 800 : index
    %swap3A_457 = tpu.vector_load %arg10[%swap3A_456] {strides = array<i32>} : memref<1024xf32, #tpu.memory_space<vmem>>, vector<16xf32>,
    tpu.vector_store %arg10[%swap3A_456], %broadcast_in_dim3A_3 {strides = array<i32>} : memref<1024xf32, #tpu.memory_space<vmem>>, vector<16xf32>,
    %neg3A_458 = arith.constant 0.000000e+00 : f32
    %neg3A_459 = vector.broadcast %neg3A_458 : f32 to vector<16xf32>
    %neg3A_460 = arith.subf %neg3A_459, %broadcast_in_dim3A_3 : vector<16xf32>
    %swap3A_461 = arith.constant 800 : index
    %swap3A_462 = tpu.vector_load %arg11[%swap3A_461] {strides = array<i32>} : memref<1024xf32, #tpu.memory_space<vmem>>, vector<16xf32>,
    tpu.vector_store %arg11[%swap3A_461], %neg3A_460 {strides = array<i32>} : memref<1024xf32, #tpu.memory_space<vmem>>, vector<16xf32>,
    %swap3A_463 = arith.constant 816 : index
    %swap3A_464 = tpu.vector_load %arg9[%swap3A_463] {strides = array<i32>} : memref<1024xf32, #tpu.memory_space<vmem>>, vector<16xf32>,
    tpu.vector_store %arg9[%swap3A_463], %broadcast_in_dim3A_5 {strides = array<i32>} : memref<1024xf32, #tpu.memory_space<vmem>>, vector<16xf32>,
    %swap3A_465 = arith.constant 816 : index
    %swap3A_466 = tpu.vector_load %arg10[%swap3A_465] {strides = array<i32>} : memref<1024xf32, #tpu.memory_space<vmem>>, vector<16xf32>,
    tpu.vector_store %arg10[%swap3A_465], %broadcast_in_dim3A_3 {strides = array<i32>} : memref<1024xf32, #tpu.memory_space<vmem>>, vector<16xf32>,
    %neg3A_467 = arith.constant 0.000000e+00 : f32
    %neg3A_468 = vector.broadcast %neg3A_467 : f32 to vector<16xf32>
    %neg3A_469 = arith.subf %neg3A_468, %broadcast_in_dim3A_3 : vector<16xf32>
    %swap3A_470 = arith.constant 816 : index
    %swap3A_471 = tpu.vector_load %arg11[%swap3A_470] {strides = array<i32>} : memref<1024xf32, #tpu.memory_space<vmem>>, vector<16xf32>,
    tpu.vector_store %arg11[%swap3A_470], %neg3A_469 {strides = array<i32>} : memref<1024xf32, #tpu.memory_space<vmem>>, vector<16xf32>,
    %swap3A_472 = arith.constant 832 : index
    %swap3A_473 = tpu.vector_load %arg9[%swap3A_472] {strides = array<i32>} : memref<1024xf32, #tpu.memory_space<vmem>>, vector<16xf32>,
    tpu.vector_store %arg9[%swap3A_472], %broadcast_in_dim3A_5 {strides = array<i32>} : memref<1024xf32, #tpu.memory_space<vmem>>, vector<16xf32>,
    %swap3A_474 = arith.constant 832 : index
    %swap3A_475 = tpu.vector_load %arg10[%swap3A_474] {strides = array<i32>} : memref<1024xf32, #tpu.memory_space<vmem>>, vector<16xf32>,
    tpu.vector_store %arg10[%swap3A_474], %broadcast_in_dim3A_3 {strides = array<i32>} : memref<1024xf32, #tpu.memory_space<vmem>>, vector<16xf32>,
    %neg3A_476 = arith.constant 0.000000e+00 : f32
    %neg3A_477 = vector.broadcast %neg3A_476 : f32 to vector<16xf32>
    %neg3A_478 = arith.subf %neg3A_477, %broadcast_in_dim3A_3 : vector<16xf32>
    %swap3A_479 = arith.constant 832 : index
    %swap3A_480 = tpu.vector_load %arg11[%swap3A_479] {strides = array<i32>} : memref<1024xf32, #tpu.memory_space<vmem>>, vector<16xf32>,
    tpu.vector_store %arg11[%swap3A_479], %neg3A_478 {strides = array<i32>} : memref<1024xf32, #tpu.memory_space<vmem>>, vector<16xf32>,
    %swap3A_481 = arith.constant 848 : index
    %swap3A_482 = tpu.vector_load %arg9[%swap3A_481] {strides = array<i32>} : memref<1024xf32, #tpu.memory_space<vmem>>, vector<16xf32>,
    tpu.vector_store %arg9[%swap3A_481], %broadcast_in_dim3A_5 {strides = array<i32>} : memref<1024xf32, #tpu.memory_space<vmem>>, vector<16xf32>,
    %swap3A_483 = arith.constant 848 : index
    %swap3A_484 = tpu.vector_load %arg10[%swap3A_483] {strides = array<i32>} : memref<1024xf32, #tpu.memory_space<vmem>>, vector<16xf32>,
    tpu.vector_store %arg10[%swap3A_483], %broadcast_in_dim3A_3 {strides = array<i32>} : memref<1024xf32, #tpu.memory_space<vmem>>, vector<16xf32>,
    %neg3A_485 = arith.constant 0.000000e+00 : f32
    %neg3A_486 = vector.broadcast %neg3A_485 : f32 to vector<16xf32>
    %neg3A_487 = arith.subf %neg3A_486, %broadcast_in_dim3A_3 : vector<16xf32>
    %swap3A_488 = arith.constant 848 : index
    %swap3A_489 = tpu.vector_load %arg11[%swap3A_488] {strides = array<i32>} : memref<1024xf32, #tpu.memory_space<vmem>>, vector<16xf32>,
    tpu.vector_store %arg11[%swap3A_488], %neg3A_487 {strides = array<i32>} : memref<1024xf32, #tpu.memory_space<vmem>>, vector<16xf32>,
    %swap3A_490 = arith.constant 864 : index
    %swap3A_491 = tpu.vector_load %arg9[%swap3A_490] {strides = array<i32>} : memref<1024xf32, #tpu.memory_space<vmem>>, vector<16xf32>,
    tpu.vector_store %arg9[%swap3A_490], %broadcast_in_dim3A_5 {strides = array<i32>} : memref<1024xf32, #tpu.memory_space<vmem>>, vector<16xf32>,
    %swap3A_492 = arith.constant 864 : index
    %swap3A_493 = tpu.vector_load %arg10[%swap3A_492] {strides = array<i32>} : memref<1024xf32, #tpu.memory_space<vmem>>, vector<16xf32>,
    tpu.vector_store %arg10[%swap3A_492], %broadcast_in_dim3A_3 {strides = array<i32>} : memref<1024xf32, #tpu.memory_space<vmem>>, vector<16xf32>,
    %neg3A_494 = arith.constant 0.000000e+00 : f32
    %neg3A_495 = vector.broadcast %neg3A_494 : f32 to vector<16xf32>
    %neg3A_496 = arith.subf %neg3A_495, %broadcast_in_dim3A_3 : vector<16xf32>
    %swap3A_497 = arith.constant 864 : index
    %swap3A_498 = tpu.vector_load %arg11[%swap3A_497] {strides = array<i32>} : memref<1024xf32, #tpu.memory_space<vmem>>, vector<16xf32>,
    tpu.vector_store %arg11[%swap3A_497], %neg3A_496 {strides = array<i32>} : memref<1024xf32, #tpu.memory_space<vmem>>, vector<16xf32>,
    %swap3A_499 = arith.constant 880 : index
    %swap3A_500 = tpu.vector_load %arg9[%swap3A_499] {strides = array<i32>} : memref<1024xf32, #tpu.memory_space<vmem>>, vector<16xf32>,
    tpu.vector_store %arg9[%swap3A_499], %broadcast_in_dim3A_5 {strides = array<i32>} : memref<1024xf32, #tpu.memory_space<vmem>>, vector<16xf32>,
    %swap3A_501 = arith.constant 880 : index
    %swap3A_502 = tpu.vector_load %arg10[%swap3A_501] {strides = array<i32>} : memref<1024xf32, #tpu.memory_space<vmem>>, vector<16xf32>,
    tpu.vector_store %arg10[%swap3A_501], %broadcast_in_dim3A_3 {strides = array<i32>} : memref<1024xf32, #tpu.memory_space<vmem>>, vector<16xf32>,
    %neg3A_503 = arith.constant 0.000000e+00 : f32
    %neg3A_504 = vector.broadcast %neg3A_503 : f32 to vector<16xf32>
    %neg3A_505 = arith.subf %neg3A_504, %broadcast_in_dim3A_3 : vector<16xf32>
    %swap3A_506 = arith.constant 880 : index
    %swap3A_507 = tpu.vector_load %arg11[%swap3A_506] {strides = array<i32>} : memref<1024xf32, #tpu.memory_space<vmem>>, vector<16xf32>,
    tpu.vector_store %arg11[%swap3A_506], %neg3A_505 {strides = array<i32>} : memref<1024xf32, #tpu.memory_space<vmem>>, vector<16xf32>,
    %swap3A_508 = arith.constant 896 : index
    %swap3A_509 = tpu.vector_load %arg9[%swap3A_508] {strides = array<i32>} : memref<1024xf32, #tpu.memory_space<vmem>>, vector<16xf32>,
    tpu.vector_store %arg9[%swap3A_508], %broadcast_in_dim3A_5 {strides = array<i32>} : memref<1024xf32, #tpu.memory_space<vmem>>, vector<16xf32>,
    %swap3A_510 = arith.constant 896 : index
    %swap3A_511 = tpu.vector_load %arg10[%swap3A_510] {strides = array<i32>} : memref<1024xf32, #tpu.memory_space<vmem>>, vector<16xf32>,
    tpu.vector_store %arg10[%swap3A_510], %broadcast_in_dim3A_3 {strides = array<i32>} : memref<1024xf32, #tpu.memory_space<vmem>>, vector<16xf32>,
    %neg3A_512 = arith.constant 0.000000e+00 : f32
    %neg3A_513 = vector.broadcast %neg3A_512 : f32 to vector<16xf32>
    %neg3A_514 = arith.subf %neg3A_513, %broadcast_in_dim3A_3 : vector<16xf32>
    %swap3A_515 = arith.constant 896 : index
    %swap3A_516 = tpu.vector_load %arg11[%swap3A_515] {strides = array<i32>} : memref<1024xf32, #tpu.memory_space<vmem>>, vector<16xf32>,
    tpu.vector_store %arg11[%swap3A_515], %neg3A_514 {strides = array<i32>} : memref<1024xf32, #tpu.memory_space<vmem>>, vector<16xf32>,
    %swap3A_517 = arith.constant 912 : index
    %swap3A_518 = tpu.vector_load %arg9[%swap3A_517] {strides = array<i32>} : memref<1024xf32, #tpu.memory_space<vmem>>, vector<16xf32>,
    tpu.vector_store %arg9[%swap3A_517], %broadcast_in_dim3A_5 {strides = array<i32>} : memref<1024xf32, #tpu.memory_space<vmem>>, vector<16xf32>,
    %swap3A_519 = arith.constant 912 : index
    %swap3A_520 = tpu.vector_load %arg10[%swap3A_519] {strides = array<i32>} : memref<1024xf32, #tpu.memory_space<vmem>>, vector<16xf32>,
    tpu.vector_store %arg10[%swap3A_519], %broadcast_in_dim3A_3 {strides = array<i32>} : memref<1024xf32, #tpu.memory_space<vmem>>, vector<16xf32>,
    %neg3A_521 = arith.constant 0.000000e+00 : f32
    %neg3A_522 = vector.broadcast %neg3A_521 : f32 to vector<16xf32>
    %neg3A_523 = arith.subf %neg3A_522, %broadcast_in_dim3A_3 : vector<16xf32>
    %swap3A_524 = arith.constant 912 : index
    %swap3A_525 = tpu.vector_load %arg11[%swap3A_524] {strides = array<i32>} : memref<1024xf32, #tpu.memory_space<vmem>>, vector<16xf32>,
    tpu.vector_store %arg11[%swap3A_524], %neg3A_523 {strides = array<i32>} : memref<1024xf32, #tpu.memory_space<vmem>>, vector<16xf32>,
    %swap3A_526 = arith.constant 928 : index
    %swap3A_527 = tpu.vector_load %arg9[%swap3A_526] {strides = array<i32>} : memref<1024xf32, #tpu.memory_space<vmem>>, vector<16xf32>,
    tpu.vector_store %arg9[%swap3A_526], %broadcast_in_dim3A_5 {strides = array<i32>} : memref<1024xf32, #tpu.memory_space<vmem>>, vector<16xf32>,
    %swap3A_528 = arith.constant 928 : index
    %swap3A_529 = tpu.vector_load %arg10[%swap3A_528] {strides = array<i32>} : memref<1024xf32, #tpu.memory_space<vmem>>, vector<16xf32>,
    tpu.vector_store %arg10[%swap3A_528], %broadcast_in_dim3A_3 {strides = array<i32>} : memref<1024xf32, #tpu.memory_space<vmem>>, vector<16xf32>,
    %neg3A_530 = arith.constant 0.000000e+00 : f32
    %neg3A_531 = vector.broadcast %neg3A_530 : f32 to vector<16xf32>
    %neg3A_532 = arith.subf %neg3A_531, %broadcast_in_dim3A_3 : vector<16xf32>
    %swap3A_533 = arith.constant 928 : index
    %swap3A_534 = tpu.vector_load %arg11[%swap3A_533] {strides = array<i32>} : memref<1024xf32, #tpu.memory_space<vmem>>, vector<16xf32>,
    tpu.vector_store %arg11[%swap3A_533], %neg3A_532 {strides = array<i32>} : memref<1024xf32, #tpu.memory_space<vmem>>, vector<16xf32>,
    %swap3A_535 = arith.constant 944 : index
    %swap3A_536 = tpu.vector_load %arg9[%swap3A_535] {strides = array<i32>} : memref<1024xf32, #tpu.memory_space<vmem>>, vector<16xf32>,
    tpu.vector_store %arg9[%swap3A_535], %broadcast_in_dim3A_5 {strides = array<i32>} : memref<1024xf32, #tpu.memory_space<vmem>>, vector<16xf32>,
    %swap3A_537 = arith.constant 944 : index
    %swap3A_538 = tpu.vector_load %arg10[%swap3A_537] {strides = array<i32>} : memref<1024xf32, #tpu.memory_space<vmem>>, vector<16xf32>,
    tpu.vector_store %arg10[%swap3A_537], %broadcast_in_dim3A_3 {strides = array<i32>} : memref<1024xf32, #tpu.memory_space<vmem>>, vector<16xf32>,
    %neg3A_539 = arith.constant 0.000000e+00 : f32
    %neg3A_540 = vector.broadcast %neg3A_539 : f32 to vector<16xf32>
    %neg3A_541 = arith.subf %neg3A_540, %broadcast_in_dim3A_3 : vector<16xf32>
    %swap3A_542 = arith.constant 944 : index
    %swap3A_543 = tpu.vector_load %arg11[%swap3A_542] {strides = array<i32>} : memref<1024xf32, #tpu.memory_space<vmem>>, vector<16xf32>,
    tpu.vector_store %arg11[%swap3A_542], %neg3A_541 {strides = array<i32>} : memref<1024xf32, #tpu.memory_space<vmem>>, vector<16xf32>,
    %swap3A_544 = arith.constant 960 : index
    %swap3A_545 = tpu.vector_load %arg9[%swap3A_544] {strides = array<i32>} : memref<1024xf32, #tpu.memory_space<vmem>>, vector<16xf32>,
    tpu.vector_store %arg9[%swap3A_544], %broadcast_in_dim3A_5 {strides = array<i32>} : memref<1024xf32, #tpu.memory_space<vmem>>, vector<16xf32>,
    %swap3A_546 = arith.constant 960 : index
    %swap3A_547 = tpu.vector_load %arg10[%swap3A_546] {strides = array<i32>} : memref<1024xf32, #tpu.memory_space<vmem>>, vector<16xf32>,
    tpu.vector_store %arg10[%swap3A_546], %broadcast_in_dim3A_3 {strides = array<i32>} : memref<1024xf32, #tpu.memory_space<vmem>>, vector<16xf32>,
    %neg3A_548 = arith.constant 0.000000e+00 : f32
    %neg3A_549 = vector.broadcast %neg3A_548 : f32 to vector<16xf32>
    %neg3A_550 = arith.subf %neg3A_549, %broadcast_in_dim3A_3 : vector<16xf32>
    %swap3A_551 = arith.constant 960 : index
    %swap3A_552 = tpu.vector_load %arg11[%swap3A_551] {strides = array<i32>} : memref<1024xf32, #tpu.memory_space<vmem>>, vector<16xf32>,
    tpu.vector_store %arg11[%swap3A_551], %neg3A_550 {strides = array<i32>} : memref<1024xf32, #tpu.memory_space<vmem>>, vector<16xf32>,
    %swap3A_553 = arith.constant 976 : index
    %swap3A_554 = tpu.vector_load %arg9[%swap3A_553] {strides = array<i32>} : memref<1024xf32, #tpu.memory_space<vmem>>, vector<16xf32>,
    tpu.vector_store %arg9[%swap3A_553], %broadcast_in_dim3A_5 {strides = array<i32>} : memref<1024xf32, #tpu.memory_space<vmem>>, vector<16xf32>,
    %swap3A_555 = arith.constant 976 : index
    %swap3A_556 = tpu.vector_load %arg10[%swap3A_555] {strides = array<i32>} : memref<1024xf32, #tpu.memory_space<vmem>>, vector<16xf32>,
    tpu.vector_store %arg10[%swap3A_555], %broadcast_in_dim3A_3 {strides = array<i32>} : memref<1024xf32, #tpu.memory_space<vmem>>, vector<16xf32>,
    %neg3A_557 = arith.constant 0.000000e+00 : f32
    %neg3A_558 = vector.broadcast %neg3A_557 : f32 to vector<16xf32>
    %neg3A_559 = arith.subf %neg3A_558, %broadcast_in_dim3A_3 : vector<16xf32>
    %swap3A_560 = arith.constant 976 : index
    %swap3A_561 = tpu.vector_load %arg11[%swap3A_560] {strides = array<i32>} : memref<1024xf32, #tpu.memory_space<vmem>>, vector<16xf32>,
    tpu.vector_store %arg11[%swap3A_560], %neg3A_559 {strides = array<i32>} : memref<1024xf32, #tpu.memory_space<vmem>>, vector<16xf32>,
    %swap3A_562 = arith.constant 992 : index
    %swap3A_563 = tpu.vector_load %arg9[%swap3A_562] {strides = array<i32>} : memref<1024xf32, #tpu.memory_space<vmem>>, vector<16xf32>,
    tpu.vector_store %arg9[%swap3A_562], %broadcast_in_dim3A_5 {strides = array<i32>} : memref<1024xf32, #tpu.memory_space<vmem>>, vector<16xf32>,
    %swap3A_564 = arith.constant 992 : index
    %swap3A_565 = tpu.vector_load %arg10[%swap3A_564] {strides = array<i32>} : memref<1024xf32, #tpu.memory_space<vmem>>, vector<16xf32>,
    tpu.vector_store %arg10[%swap3A_564], %broadcast_in_dim3A_3 {strides = array<i32>} : memref<1024xf32, #tpu.memory_space<vmem>>, vector<16xf32>,
    %neg3A_566 = arith.constant 0.000000e+00 : f32
    %neg3A_567 = vector.broadcast %neg3A_566 : f32 to vector<16xf32>
    %neg3A_568 = arith.subf %neg3A_567, %broadcast_in_dim3A_3 : vector<16xf32>
    %swap3A_569 = arith.constant 992 : index
    %swap3A_570 = tpu.vector_load %arg11[%swap3A_569] {strides = array<i32>} : memref<1024xf32, #tpu.memory_space<vmem>>, vector<16xf32>,
    tpu.vector_store %arg11[%swap3A_569], %neg3A_568 {strides = array<i32>} : memref<1024xf32, #tpu.memory_space<vmem>>, vector<16xf32>,
    %swap3A_571 = arith.constant 1008 : index
    %swap3A_572 = tpu.vector_load %arg9[%swap3A_571] {strides = array<i32>} : memref<1024xf32, #tpu.memory_space<vmem>>, vector<16xf32>,
    tpu.vector_store %arg9[%swap3A_571], %broadcast_in_dim3A_5 {strides = array<i32>} : memref<1024xf32, #tpu.memory_space<vmem>>, vector<16xf32>,
    %swap3A_573 = arith.constant 1008 : index
    %swap3A_574 = tpu.vector_load %arg10[%swap3A_573] {strides = array<i32>} : memref<1024xf32, #tpu.memory_space<vmem>>, vector<16xf32>,
    tpu.vector_store %arg10[%swap3A_573], %broadcast_in_dim3A_3 {strides = array<i32>} : memref<1024xf32, #tpu.memory_space<vmem>>, vector<16xf32>,
    %neg3A_575 = arith.constant 0.000000e+00 : f32
    %neg3A_576 = vector.broadcast %neg3A_575 : f32 to vector<16xf32>
    %neg3A_577 = arith.subf %neg3A_576, %broadcast_in_dim3A_3 : vector<16xf32>
    %swap3A_578 = arith.constant 1008 : index
    %swap3A_579 = tpu.vector_load %arg11[%swap3A_578] {strides = array<i32>} : memref<1024xf32, #tpu.memory_space<vmem>>, vector<16xf32>,
    tpu.vector_store %arg11[%swap3A_578], %neg3A_577 {strides = array<i32>} : memref<1024xf32, #tpu.memory_space<vmem>>, vector<16xf32>,
    %iota3A = tpu.iota {dimensions = array<i32: 0>} : vector<16xi32>
    %broadcast_in_dim3A_580 = arith.constant 1.000000e+00 : f32
    %broadcast_in_dim3A_581 = vector.broadcast %broadcast_in_dim3A_580 : f32 to vector<16xf32>
    %scan3A = arith.constant 0 : i32
    %scan3A_582 = arith.constant 0 : i32
    %scan3A_583 = arith.constant 5 : i32
    %scan3A_584 = arith.addi %scan3A_582, %scan3A_583 : i32
    %scan3A_585 = arith.constant 1 : i32
    %scan3A_586 = scf.for %scan3A_590 = %scan3A_582 to %scan3A_584 step %scan3A_585 iter_args(%scan3A_591 = %scan3A) -> (i32)  : i32 {
      %mul3A_592 = arith.constant 40000 : i32
      %mul3A_593 = arith.muli %scan3A_590, %mul3A_592 : i32
      %add3A_594 = arith.addi %mul3A_2, %mul3A_593 : i32
      "tpu.region"() ({
        %run_scoped3A_603 = tpu.sem_alloc : memref<!tpu.dma_semaphore, #tpu.memory_space<semaphore_mem>>
        %dma_start3A = tpu.memref_slice %arg2[%add3A_594] : memref<6400000xf32, #tpu.memory_space<hbm>> -> memref<40000xf32, #tpu.memory_space<hbm>>
        %dma_start3A_604 = tpu.memref_slice %arg2[%add3A_594] : memref<6400000xf32, #tpu.memory_space<hbm>> -> memref<40000xf32, #tpu.memory_space<hbm>>
        tpu.enqueue_dma source(%dma_start3A_604 : memref<40000xf32, #tpu.memory_space<hbm>>) target(%arg7 : memref<40000xf32, #tpu.memory_space<vmem>>) target_semaphore(%run_scoped3A_603 : memref<!tpu.dma_semaphore, #tpu.memory_space<semaphore_mem>>)
        %dma_wait3A = tpu.memref_slice %arg2[%add3A_594] : memref<6400000xf32, #tpu.memory_space<hbm>> -> memref<40000xf32, #tpu.memory_space<hbm>>
        %dma_wait3A_605 = tpu.memref_slice %arg2[%add3A_594] : memref<6400000xf32, #tpu.memory_space<hbm>> -> memref<40000xf32, #tpu.memory_space<hbm>>
        tpu.wait_dma2 semaphore(%run_scoped3A_603 : memref<!tpu.dma_semaphore, #tpu.memory_space<semaphore_mem>>) src(%dma_wait3A_605 : memref<40000xf32, #tpu.memory_space<hbm>>) dst(%arg7 : memref<40000xf32, #tpu.memory_space<vmem>>)
        tpu.yield
      }) : () -> ()
      "tpu.region"() ({
        %run_scoped3A_603 = tpu.sem_alloc : memref<!tpu.dma_semaphore, #tpu.memory_space<semaphore_mem>>
        %dma_start3A = tpu.memref_slice %arg3[%add3A_594] : memref<6400000xi32, #tpu.memory_space<hbm>> -> memref<40000xi32, #tpu.memory_space<hbm>>
        %dma_start3A_604 = tpu.memref_slice %arg3[%add3A_594] : memref<6400000xi32, #tpu.memory_space<hbm>> -> memref<40000xi32, #tpu.memory_space<hbm>>
        tpu.enqueue_dma source(%dma_start3A_604 : memref<40000xi32, #tpu.memory_space<hbm>>) target(%arg8 : memref<40000xi32, #tpu.memory_space<vmem>>) target_semaphore(%run_scoped3A_603 : memref<!tpu.dma_semaphore, #tpu.memory_space<semaphore_mem>>)
        %dma_wait3A = tpu.memref_slice %arg3[%add3A_594] : memref<6400000xi32, #tpu.memory_space<hbm>> -> memref<40000xi32, #tpu.memory_space<hbm>>
        %dma_wait3A_605 = tpu.memref_slice %arg3[%add3A_594] : memref<6400000xi32, #tpu.memory_space<hbm>> -> memref<40000xi32, #tpu.memory_space<hbm>>
        tpu.wait_dma2 semaphore(%run_scoped3A_603 : memref<!tpu.dma_semaphore, #tpu.memory_space<semaphore_mem>>) src(%dma_wait3A_605 : memref<40000xi32, #tpu.memory_space<hbm>>) dst(%arg8 : memref<40000xi32, #tpu.memory_space<vmem>>)
        tpu.yield
      }) : () -> ()
      %scan3A_595 = arith.constant 0 : i32
      %scan3A_596 = arith.constant 0 : i32
      %scan3A_597 = arith.constant 2500 : i32
      %scan3A_598 = arith.addi %scan3A_596, %scan3A_597 : i32
      %scan3A_599 = arith.constant 1 : i32
      %scan3A_600 = scf.for %scan3A_603 = %scan3A_596 to %scan3A_598 step %scan3A_599 iter_args(%scan3A_604 = %scan3A_595) -> (i32)  : i32 {
        %mul3A_605 = arith.constant 16 : i32
        %mul3A_606 = arith.muli %scan3A_603, %mul3A_605 : i32
        %get3A = arith.index_cast %mul3A_606 : i32 to index
        %get3A_607 = tpu.vector_load %arg7[%get3A] {strides = array<i32>} : memref<40000xf32, #tpu.memory_space<vmem>>, vector<16xf32>,
        %mul3A_608 = arith.constant 16 : i32
        %mul3A_609 = arith.muli %scan3A_603, %mul3A_608 : i32
        %get3A_610 = arith.index_cast %mul3A_609 : i32 to index
        %get3A_611 = tpu.vector_load %arg8[%get3A_610] {strides = array<i32>} : memref<40000xi32, #tpu.memory_space<vmem>>, vector<16xi32>,
        %mul3A_612 = arith.constant 16 : i32
        %mul3A_613 = vector.broadcast %mul3A_612 : i32 to vector<16xi32>
        %mul3A_614 = arith.muli %get3A_611, %mul3A_613 : vector<16xi32>
        %add3A_615 = arith.addi %mul3A_614, %iota3A : vector<16xi32>
        tpu.vector_store_idx %arg9[%add3A_615], %broadcast_in_dim3A_581 {add = true} : memref<1024xf32, #tpu.memory_space<vmem>>[vector<16xi32>], vector<16xf32>,
        %gather3A = tpu.vector_load_idx %arg10[%add3A_615] : memref<1024xf32, #tpu.memory_space<vmem>>[vector<16xi32>], vector<16xf32>,
        %min3A = arith.minimumf %gather3A, %get3A_607 : vector<16xf32>
        tpu.vector_store_idx %arg10[%add3A_615], %min3A : memref<1024xf32, #tpu.memory_space<vmem>>[vector<16xi32>], vector<16xf32>,
        %gather3A_616 = tpu.vector_load_idx %arg11[%add3A_615] : memref<1024xf32, #tpu.memory_space<vmem>>[vector<16xi32>], vector<16xf32>,
        %max3A = arith.maximumf %gather3A_616, %get3A_607 : vector<16xf32>
        tpu.vector_store_idx %arg11[%add3A_615], %max3A : memref<1024xf32, #tpu.memory_space<vmem>>[vector<16xi32>], vector<16xf32>,
        %scan3A_617 = arith.constant 0 : i32
        scf.yield %scan3A_617 : i32
      }
      %scan3A_601 = arith.constant 2500 : i32
      %scan3A_602 = arith.constant 0 : i32
      scf.yield %scan3A_602 : i32
    }
    %scan3A_587 = arith.constant 5 : i32
    %run_scoped3A = arith.constant 0 : i32
    "tpu.region"() ({
      %run_scoped3A_590 = tpu.sem_alloc : memref<!tpu.dma_semaphore, #tpu.memory_space<semaphore_mem>>
      %dma_start3A = arith.constant 0 : i32
      %dma_start3A_591 = tpu.memref_slice %arg4[%add3A, %run_scoped3A, %dma_start3A] : memref<32x1x1024xf32, #tpu.memory_space<hbm>> -> memref<1x1x1024xf32, #tpu.memory_space<hbm>>
      %dma_start3A_592 = tpu.memref_squeeze %dma_start3A_591 : memref<1x1x1024xf32, #tpu.memory_space<hbm>> -> memref<1024xf32, #tpu.memory_space<hbm>>
      %dma_start3A_593 = arith.constant 0 : i32
      %dma_start3A_594 = tpu.memref_slice %arg4[%add3A, %run_scoped3A, %dma_start3A_593] : memref<32x1x1024xf32, #tpu.memory_space<hbm>> -> memref<1x1x1024xf32, #tpu.memory_space<hbm>>
      %dma_start3A_595 = tpu.memref_squeeze %dma_start3A_594 : memref<1x1x1024xf32, #tpu.memory_space<hbm>> -> memref<1024xf32, #tpu.memory_space<hbm>>
      tpu.enqueue_dma source(%arg9 : memref<1024xf32, #tpu.memory_space<vmem>>) target(%dma_start3A_595 : memref<1024xf32, #tpu.memory_space<hbm>>) target_semaphore(%run_scoped3A_590 : memref<!tpu.dma_semaphore, #tpu.memory_space<semaphore_mem>>)
      %dma_wait3A = arith.constant 0 : i32
      %dma_wait3A_596 = tpu.memref_slice %arg4[%add3A, %run_scoped3A, %dma_wait3A] : memref<32x1x1024xf32, #tpu.memory_space<hbm>> -> memref<1x1x1024xf32, #tpu.memory_space<hbm>>
      %dma_wait3A_597 = tpu.memref_squeeze %dma_wait3A_596 : memref<1x1x1024xf32, #tpu.memory_space<hbm>> -> memref<1024xf32, #tpu.memory_space<hbm>>
      %dma_wait3A_598 = arith.constant 0 : i32
      %dma_wait3A_599 = tpu.memref_slice %arg4[%add3A, %run_scoped3A, %dma_wait3A_598] : memref<32x1x1024xf32, #tpu.memory_space<hbm>> -> memref<1x1x1024xf32, #tpu.memory_space<hbm>>
      %dma_wait3A_600 = tpu.memref_squeeze %dma_wait3A_599 : memref<1x1x1024xf32, #tpu.memory_space<hbm>> -> memref<1024xf32, #tpu.memory_space<hbm>>
      tpu.wait_dma2 semaphore(%run_scoped3A_590 : memref<!tpu.dma_semaphore, #tpu.memory_space<semaphore_mem>>) src(%arg9 : memref<1024xf32, #tpu.memory_space<vmem>>) dst(%dma_wait3A_600 : memref<1024xf32, #tpu.memory_space<hbm>>)
      tpu.yield
    }) : () -> ()
    %run_scoped3A_588 = arith.constant 0 : i32
    "tpu.region"() ({
      %run_scoped3A_590 = tpu.sem_alloc : memref<!tpu.dma_semaphore, #tpu.memory_space<semaphore_mem>>
      %dma_start3A = arith.constant 0 : i32
      %dma_start3A_591 = tpu.memref_slice %arg5[%add3A, %run_scoped3A_588, %dma_start3A] : memref<32x1x1024xf32, #tpu.memory_space<hbm>> -> memref<1x1x1024xf32, #tpu.memory_space<hbm>>
      %dma_start3A_592 = tpu.memref_squeeze %dma_start3A_591 : memref<1x1x1024xf32, #tpu.memory_space<hbm>> -> memref<1024xf32, #tpu.memory_space<hbm>>
      %dma_start3A_593 = arith.constant 0 : i32
      %dma_start3A_594 = tpu.memref_slice %arg5[%add3A, %run_scoped3A_588, %dma_start3A_593] : memref<32x1x1024xf32, #tpu.memory_space<hbm>> -> memref<1x1x1024xf32, #tpu.memory_space<hbm>>
      %dma_start3A_595 = tpu.memref_squeeze %dma_start3A_594 : memref<1x1x1024xf32, #tpu.memory_space<hbm>> -> memref<1024xf32, #tpu.memory_space<hbm>>
      tpu.enqueue_dma source(%arg10 : memref<1024xf32, #tpu.memory_space<vmem>>) target(%dma_start3A_595 : memref<1024xf32, #tpu.memory_space<hbm>>) target_semaphore(%run_scoped3A_590 : memref<!tpu.dma_semaphore, #tpu.memory_space<semaphore_mem>>)
      %dma_wait3A = arith.constant 0 : i32
      %dma_wait3A_596 = tpu.memref_slice %arg5[%add3A, %run_scoped3A_588, %dma_wait3A] : memref<32x1x1024xf32, #tpu.memory_space<hbm>> -> memref<1x1x1024xf32, #tpu.memory_space<hbm>>
      %dma_wait3A_597 = tpu.memref_squeeze %dma_wait3A_596 : memref<1x1x1024xf32, #tpu.memory_space<hbm>> -> memref<1024xf32, #tpu.memory_space<hbm>>
      %dma_wait3A_598 = arith.constant 0 : i32
      %dma_wait3A_599 = tpu.memref_slice %arg5[%add3A, %run_scoped3A_588, %dma_wait3A_598] : memref<32x1x1024xf32, #tpu.memory_space<hbm>> -> memref<1x1x1024xf32, #tpu.memory_space<hbm>>
      %dma_wait3A_600 = tpu.memref_squeeze %dma_wait3A_599 : memref<1x1x1024xf32, #tpu.memory_space<hbm>> -> memref<1024xf32, #tpu.memory_space<hbm>>
      tpu.wait_dma2 semaphore(%run_scoped3A_590 : memref<!tpu.dma_semaphore, #tpu.memory_space<semaphore_mem>>) src(%arg10 : memref<1024xf32, #tpu.memory_space<vmem>>) dst(%dma_wait3A_600 : memref<1024xf32, #tpu.memory_space<hbm>>)
      tpu.yield
    }) : () -> ()
    %run_scoped3A_589 = arith.constant 0 : i32
    "tpu.region"() ({
      %run_scoped3A_590 = tpu.sem_alloc : memref<!tpu.dma_semaphore, #tpu.memory_space<semaphore_mem>>
      %dma_start3A = arith.constant 0 : i32
      %dma_start3A_591 = tpu.memref_slice %arg6[%add3A, %run_scoped3A_589, %dma_start3A] : memref<32x1x1024xf32, #tpu.memory_space<hbm>> -> memref<1x1x1024xf32, #tpu.memory_space<hbm>>
      %dma_start3A_592 = tpu.memref_squeeze %dma_start3A_591 : memref<1x1x1024xf32, #tpu.memory_space<hbm>> -> memref<1024xf32, #tpu.memory_space<hbm>>
      %dma_start3A_593 = arith.constant 0 : i32
      %dma_start3A_594 = tpu.memref_slice %arg6[%add3A, %run_scoped3A_589, %dma_start3A_593] : memref<32x1x1024xf32, #tpu.memory_space<hbm>> -> memref<1x1x1024xf32, #tpu.memory_space<hbm>>
      %dma_start3A_595 = tpu.memref_squeeze %dma_start3A_594 : memref<1x1x1024xf32, #tpu.memory_space<hbm>> -> memref<1024xf32, #tpu.memory_space<hbm>>
      tpu.enqueue_dma source(%arg11 : memref<1024xf32, #tpu.memory_space<vmem>>) target(%dma_start3A_595 : memref<1024xf32, #tpu.memory_space<hbm>>) target_semaphore(%run_scoped3A_590 : memref<!tpu.dma_semaphore, #tpu.memory_space<semaphore_mem>>)
      %dma_wait3A = arith.constant 0 : i32
      %dma_wait3A_596 = tpu.memref_slice %arg6[%add3A, %run_scoped3A_589, %dma_wait3A] : memref<32x1x1024xf32, #tpu.memory_space<hbm>> -> memref<1x1x1024xf32, #tpu.memory_space<hbm>>
      %dma_wait3A_597 = tpu.memref_squeeze %dma_wait3A_596 : memref<1x1x1024xf32, #tpu.memory_space<hbm>> -> memref<1024xf32, #tpu.memory_space<hbm>>
      %dma_wait3A_598 = arith.constant 0 : i32
      %dma_wait3A_599 = tpu.memref_slice %arg6[%add3A, %run_scoped3A_589, %dma_wait3A_598] : memref<32x1x1024xf32, #tpu.memory_space<hbm>> -> memref<1x1x1024xf32, #tpu.memory_space<hbm>>
      %dma_wait3A_600 = tpu.memref_squeeze %dma_wait3A_599 : memref<1x1x1024xf32, #tpu.memory_space<hbm>> -> memref<1024xf32, #tpu.memory_space<hbm>>
      tpu.wait_dma2 semaphore(%run_scoped3A_590 : memref<!tpu.dma_semaphore, #tpu.memory_space<semaphore_mem>>) src(%arg11 : memref<1024xf32, #tpu.memory_space<vmem>>) dst(%dma_wait3A_600 : memref<1024xf32, #tpu.memory_space<hbm>>)
      tpu.yield
    }) : () -> ()
    return
  }
}

</mosaic_0001>

<sc_bundles>
// kernel: kernel.4.cloned.1.call-start
scs
__scs_entry_jumppad:
0x0: {  	(pc) =	sbr.rel $0x88, $3  }
0x1: {  	(tag) =	ssettag $0x0;
	lr =	simm.s32 $0x1  }
0x2: {  	[smem:$0x3F9F] =	sst lr;
	_ =	strace $0xD0000000  }
0x3: {  	_ = 	snop  }
0x4: {  	_ = 	snop  }
0x5: {  	_ = 	snop  }
0x6: {  	_ = 	snop  }
0x7: {  	_ = 	snop  }
__scs_overlays_trampoline_lowered:
0x8: {  	[smem:$0x3FAE] =	sst s0  }
0x9: {  	[smem:$0x3FAF] =	sst s1  }
0xa: {  	[smem:$0x3FB0] =	sst s2  }
0xb: {  	[smem:$0x3FB1] =	sst s3  }
0xc: {  	[smem:$0x3FB2] =	sst s4  }
0xd: {  	[smem:$0x3FB3] =	sst s5  }
0xe: {  	[smem:$0x3FB4] =	sst s6  }
0xf: {  	[smem:$0x3FB5] =	sst s7  }
0x10: {  	[smem:$0x3FB6] =	sst s8  }
0x11: {  	[smem:$0x3FB7] =	sst s9;
	s0 =	simm.s32 @!p0 $0x0  }
0x12: {  	s1 =	sld [smem:$0x3F9D];
	s0 =	simm.s32 @p0 $0x1  }
0x13: {  	[smem:$0x3FB8] =	sst s0;
	s0 =	simm.s32 @!p1 $0x0  }
0x14: {  	s2 =	sld [smem:$0x3F9C];
	s0 =	simm.s32 @p1 $0x1  }
0x15: {  	[smem:$0x3FB9] =	sst s0;
	s0 =	simm.s32 @!p2 $0x0  }
0x16: {  	s3 =	sld [smem:$0x3FDB];
	s0 =	simm.s32 @p2 $0x1  }
0x17: {  	s4 =	simm.s32 $0x1BF5;
	[smem:$0x3FBB] =	sst s0  }
0x18: {  	s0 =	sld [smem:$0x3F9E];
	_ =	swait.ge [sflag:s4], $0x0  }
0x19: {  	s7 =	sld [smem:$0x3F9F]  }
0x1a: {  	s8 =	sadd.s32 $0xFFFFE003, lr  }
0x1b: {  	s9 =	sadd.s32 $0xFFFFFEF7, lr;
	s5 =	simm.s32 $0xFFFFFFFF;
	p2 =	slt.u32 s8, $0xFFFFF086  }
0x1c: {  	p1 =	slt.u32 s9, $0xF7A;
	s5 =	simm.s32 @!p2 $0x0  }
0x1d: {  	s5 =	simm.s32 @p1 $0x1;
	p0 =	seq.s32 s7, s2  }
0x1e: {  	s7 =	smul.u32 @!p0 $0xF7A, s2;
	p2 =	seq.s32 @!p0 s5, $0x0  }
0x1f: {  	s9 =	smul.u32 $0xF7A, s1;
	s8 =	simm.s32 @!p0 $0x1BF5;
	p2 =	por !p2, p0  }
0x20: {  	[sflag:s8] =	ssyncset.s32 @!p0 $0xFFFFF086;
	s6 =	sadd.s32 @!p0 s3, s7;
	s7 =	simm.s32 @!p0 $0x108  }
0x21: {  	s3 =	sadd.s32 s3, s9;
	s6 =	sadd.s32 @!p0 $0x88, s6;
	s7 =	simm.s32 @p2 $0x1082  }
0x22: {  	[simem:s7], [sflag:s8] =	dma.local @!p0 [hbm:s6], $0xF7A  }
0x23: {  	s9 =	sor.u32 $0xD0000000, s2;
	s6 =	simm.s32 $0x108;
	_ =	swait.ge @!p0 [sflag:s8], $0x0  }
0x24: {  	s3 =	sadd.s32 $0x88, s3;
	s6 =	simm.s32 @!p1 $0x1082;
	[sflag:s4] =	ssyncset.s32 $0xFFFFF086  }
0x25: {  	[simem:s6], [sflag:s4] =	dma.local [hbm:s3], $0xF7A  }
0x26: {  	[smem:$0x3F9F] =	sst s1;
	(tag) =	ssettag s2;
	_ =	strace s9  }
0x27: {  	s1 =	sld [smem:$0x3FAF]  }
0x28: {  	s2 =	sld [smem:$0x3FB0]  }
0x29: {  	s4 =	sld [smem:$0x3FB2]  }
0x2a: {  	p0 =	seq.s32 s5, $0x0;
	s5 =	sld [smem:$0x3FB3]  }
0x2b: {  	s6 =	sld [smem:$0x3FB4]  }
0x2c: {  	s7 =	sld [smem:$0x3FB5]  }
0x2d: {  	s3 =	simm.s32 $0x108;
	s8 =	sld [smem:$0x3FB6]  }
0x2e: {  	s3 =	simm.s32 @!p0 $0x1082;
	s9 =	sld [smem:$0x3FB7]  }
0x2f: {  	lr =	sadd.s32 s0, s3;
	s0 =	sld [smem:$0x3FAE]  }
0x30: {  	s3 =	sld [smem:$0x3FB1]  }
0x31: {  	[smem:$0x3FBA] =	sst s10  }
0x32: {  	s10 =	sld [smem:$0x3FB8];
	_ =	sdelay $0x3  }
0x33: {  	p0 =	seq.s32 s10, $0x1;
	s10 =	sld [smem:$0x3FBA];
	_ =	sdelay $0x3  }
0x34: {  	[smem:$0x3FBA] =	sst s10  }
0x35: {  	s10 =	sld [smem:$0x3FB9];
	_ =	sdelay $0x3  }
0x36: {  	p1 =	seq.s32 s10, $0x1;
	s10 =	sld [smem:$0x3FBA];
	_ =	sdelay $0x3  }
0x37: {  	[smem:$0x3FBA] =	sst s10  }
0x38: {  	s10 =	sld [smem:$0x3FBB]  }
0x39: {  	_ = 	snop;
	(pc) =	sbr.ind lr, $3  }
0x3a: {  	_ = 	snop  }
0x3b: {  	_ = 	snop  }
0x3c: {  	p2 =	seq.s32 s10, $0x1;
	s10 =	sld [smem:$0x3FBA]  }
0x3d: {  	_ =	shalt  }
0x3e: {  	_ =	shalt  }
0x3f: {  	_ =	shalt  }
0x40: {  	_ =	shalt  }
0x41: {  	_ =	shalt  }
0x42: {  	_ =	shalt  }
0x43: {  	_ =	shalt  }
0x44: {  	_ =	shalt  }
0x45: {  	_ =	shalt  }
0x46: {  	_ =	shalt  }
0x47: {  	_ =	shalt  }
0x48: {  	_ =	shalt  }
0x49: {  	_ =	shalt  }
0x4a: {  	_ =	shalt  }
0x4b: {  	_ =	shalt  }
0x4c: {  	_ =	shalt  }
0x4d: {  	_ =	shalt  }
0x4e: {  	_ =	shalt  }
0x4f: {  	_ =	shalt  }
0x50: {  	_ =	shalt  }
0x51: {  	_ =	shalt  }
0x52: {  	_ =	shalt  }
0x53: {  	_ =	shalt  }
0x54: {  	_ =	shalt  }
0x55: {  	_ =	shalt  }
0x56: {  	_ =	shalt  }
0x57: {  	_ =	shalt  }
0x58: {  	_ =	shalt  }
0x59: {  	_ =	shalt  }
0x5a: {  	_ =	shalt  }
0x5b: {  	_ =	shalt  }
0x5c: {  	_ =	shalt  }
0x5d: {  	_ =	shalt  }
0x5e: {  	_ =	shalt  }
0x5f: {  	_ =	shalt  }
0x60: {  	_ =	shalt  }
0x61: {  	_ =	shalt  }
0x62: {  	_ =	shalt  }
0x63: {  	_ =	shalt  }
0x64: {  	_ =	shalt  }
0x65: {  	_ =	shalt  }
0x66: {  	_ =	shalt  }
0x67: {  	_ =	shalt  }
0x68: {  	_ =	shalt  }
0x69: {  	_ =	shalt  }
0x6a: {  	_ =	shalt  }
0x6b: {  	_ =	shalt  }
0x6c: {  	_ =	shalt  }
0x6d: {  	_ =	shalt  }
0x6e: {  	_ =	shalt  }
0x6f: {  	_ =	shalt  }
0x70: {  	_ =	shalt  }
0x71: {  	_ =	shalt  }
0x72: {  	_ =	shalt  }
0x73: {  	_ =	shalt  }
0x74: {  	_ =	shalt  }
0x75: {  	_ =	shalt  }
0x76: {  	_ =	shalt  }
0x77: {  	_ =	shalt  }
0x78: {  	_ =	shalt  }
0x79: {  	_ =	shalt  }
0x7a: {  	_ =	shalt  }
0x7b: {  	_ =	shalt  }
0x7c: {  	_ =	shalt  }
0x7d: {  	_ =	shalt  }
0x7e: {  	_ =	shalt  }
0x7f: {  	_ =	shalt  }
0x80: {  	_ =	shalt  }
0x81: {  	_ =	shalt  }
0x82: {  	_ =	shalt  }
0x83: {  	_ =	shalt  }
0x84: {  	_ =	shalt  }
0x85: {  	_ =	shalt  }
0x86: {  	_ =	shalt  }
0x87: {  	_ =	shalt  }
.Lfunc_end0:
.L_simem_size_0:
called_computation.1_lowered:
.L_overlay_start_0:
0x88: {  	s2 =	sld [smem:$0x3FD9]  }
0x89: {  	s3 =	sld [smem:$0x3FFE];
	_ =	sdelay $0x1  }
0x8a: {  	s1 =	srdreg.scid  }
0x8b: {  	s0 =	sand.u32 $0x1, s1  }
0x8c: {  	s17 =	sshll.u32 s0, $0xA;
	s2 =	sadd.s32 s3, s2  }
0x8d: {  	s2 =	sadd.s32 s2, s17  }
0x8e: {  	[smem:$0x3FC6] =	sst s2  }
0x8f: {  	_ = 	snop  }
0x90: {  	s2 =	sld [smem:$0x3FC9]  }
0x91: {  	s18 =	sld [smem:$0x3FC8];
	(tm) =	ssettm $0x1  }
0x92: {  	s4 =	sld [smem:$0x3FFB];
	_ =	sdelay $0x3  }
0x93: {  	_ =	strace s4  }
0x94: {  	s4 =	sld [smem:$0x3FFC];
	_ =	sdelay $0x3  }
0x95: {  	_ =	strace s4  }
0x96: {  	s4 =	sld [smem:$0x3FFD];
	_ =	sdelay $0x3  }
0x97: {  	_ =	strace s4  }
0x98: {  	_ =	strace $0x8FFFFFFF  }
0x99: {  	s19 =	sld [smem:$0x3FDB];
	_ =	sdelay $0x1  }
0x9a: {  	s5 =	simm.s32 $_scs_section_size  }
0x9b: {  	s6 =	simm.s32 $_size__tile_overlayer_lowered;
	s7 =	simm.s32 $_tile_overlayer_lowered  }
0x9c: {  	s22 =	simm.s32 $0x1BFF;
	s21 =	sshll.u32 s7, $0x1;
	s4 =	sadd.s32 s5, s19  }
0x9d: {  	s8 =	simm.s32 $0x0;
	s20 =	sshll.u32 s6, $0x1;
	s6 =	sadd.s32 s21, s4  }
0x9e: {  	[timem:s8], [sflag:s22] =	dma.local [hbm:s6], s20  }
0x9f: {  	_ =	swait.ge [sflag:s22], s20  }
0xa0: {  	s5 =	ssub.s32 $0x0, s20;
	[sflag:s22] =	ssyncset.done $0x0  }
0xa1: {  	[sflag:s22] =	ssyncadd.s32 s5;
	_ =	sdelay $0x1  }
0xa2: {  	s23 =	simm.s32 $0x1B8B  }
0xa3: {  	_ =	swait.ge [sflag:s23], $0x1  }
0xa4: {  	[sflag:s23] =	ssyncset.done $0x0  }
0xa5: {  	s25 =	simm.s32 $0x1B8E;
	s24 =	sld [smem:$0x3FFE];
	[sflag:s23] =	ssyncadd.s32 $0xFFFFFFFF  }
0xa6: {  	s26 =	simm.s32 $execute0_lowered;
	[smem:$0x3FD2] =	sst s25  }
0xa7: {  	s6 =	sshll.u32 s26, $0x1;
	_ =	strace $0x80000046;
	[dreg:$0x1] =	wrdreg $0xFFFFFFFF  }
0xa8: {  	s28 =	simm.s32 $_size_execute0_lowered;
	s4 =	sadd.s32 s4, s6;
	[dreg:$0x0] =	wrdreg $0x0  }
0xa9: {  	s6 =	sshll.u32 s28, $0x1;
	[dreg:$0x2] =	wrdreg s4  }
0xaa: {  	[dreg:$0x3] =	wrdreg s6  }
0xab: {  	[dreg:$0x4] =	wrdreg $0xC0  }
0xac: {  	_ =	task [dreg:s8], $0x5FFFF  }
0xad: {  	[dreg:$0x1] =	wrdreg $0xFFFFFFFF  }
0xae: {  	[dreg:$0x0] =	wrdreg $0x60  }
0xaf: {  	[dreg:$0x2] =	wrdreg s2  }
0xb0: {  	[dreg:$0x3] =	wrdreg s18  }
0xb1: {  	[dreg:$0x4] =	wrdreg s24  }
0xb2: {  	[dreg:$0x5] =	wrdreg $0x9  }
0xb3: {  	_ =	task.clear_ibuf [dreg:s8], $0x6FFFF;
	_ =	strace $0x90000046  }
0xb4: {  	s29 =	simm.s32 $0x9;
	_ =	strace $0x80000048  }
0xb5: {  	_ =	swait.ge [sflag:s29], $0x1  }
0xb6: {  	[sflag:s29] =	ssyncadd.s32 $0xFFFFFFFF  }
0xb7: {  	_ =	strace $0x90000048  }
0xb8: {  	_ =	sfence  }
0xb9: {  	s30 =	sld [smem:$0x0];
	_ =	sdelay $0x2  }
0xba: {  	s31 =	sshll.u32 s1, $0xD;
	s1 =	sshrl.u32 s1, $0x2  }
0xbb: {  	s3 =	sand.u32 $0x4000, s31;
	s1 =	sadd.s32 s1, s30  }
0xbc: {  	s0 =	sor.u32 s3, s0;
	s1 =	sshll.u32 s1, $0x11  }
0xbd: {  	s0 =	sor.u32 s1, s0  }
0xbe: {  	s0 =	sadd.s32 $0x8F2B, s0  }
0xbf: {  	[sflag:s0] =	ssyncadd.remote.s32 $0x1  }
0xc0: {  	_ =	sfence.sel $0xFFFF  }
0xc1: {  	[dreg:$0x0] =	wrdreg $0xFFFFFFFF;
	(pc) =	sbr.abs _section_cstart, $3  }
0xc2: {  	[dreg:$0x1] =	wrdreg $0xFFFFFFFF  }
0xc3: {  	_ =	task.clear_ibuf [dreg:s8], $0x2FFFF;
	_ =	strace $0x9FFFFFFF  }
0xc4: {  	(tm) =	ssettm $0x7FFFFFFF  }
0xc5: {  	_ =	shalt  }
tec
execute0_lowered:
.L_overlay_start_1:
0x0: {  	(tag) =	ssettag $0x1  }
0x1: {  	s1 =	rddreg [dreg:$0x0]  }
0x2: {  	s3 =	rddreg [dreg:$0x1]  }
0x3: {  	s6 =	rddreg [dreg:$0x2]  }
0x4: {  	s0 =	rddreg [dreg:$0x3]  }
0x5: {  	s5 =	srdreg.scid;
	s2 =	stileid.u32;
	s4 =	simm.s32 $0x0  }
0x6: {  	s11 =	simm.s32 $0x9C80;
	s12 =	simm.s32 $0x13900;
	s13 =	simm.s32 $0x13D00  }
0x7: {  	s14 =	simm.s32 $0x14100;
	s5 =	sand.u32 $0x1, s5;
	s7 =	sshll.u32 s2, $0x1  }
0x8: {  	s15 =	simm.s32 $0x0;
	s8 =	ssub.s32 $0x2, s5;
	s5 =	sor.u32 s5, s7  }
0x9: {  	s19 =	simm.s32 $0x0;
	[smem:$0x7FF] =	sst s4;
	s9 =	sshll.u32 s5, $0x7  }
0xa: {  	_ =	strace $0x80000047;
	s31 =	sshrl.u32 s8, $0x1;
	s6 =	sadd.s32 s6, s9  }
0xb: {  	v0 =	vimm.f32 $0.0e+00;
	v1 =	vimm.f32 $+Inf;
	s5 =	smul.u32 $0x30D40, s5;
	s10 =	ssub.s32 s8, s31;
	s7 =	sadd.s32 $0x2000, s6  }
0xc: {  	v2 =	vimm.f32 $-Inf;
	v3 =	vlaneseq.u32;
	v4 =	vimm.f32 $1.000000000e+00;
	s8 =	sadd.s32 $0x1000, s6;
	s9 =	smax.u32 s10, $0x1;
	s10 =	simm.s32 $0x1  }
.LBB2_1:
0xd: {  	[tilespmem:$0x13900] =	vst v0  }
0xe: {  	[tilespmem:$0x13D00] =	vst v1  }
0xf: {  	[tilespmem:$0x14100] =	vst v2  }
0x10: {  	[tilespmem:$0x13910] =	vst v0  }
0x11: {  	[tilespmem:$0x13D10] =	vst v1  }
0x12: {  	[tilespmem:$0x14110] =	vst v2  }
0x13: {  	[tilespmem:$0x13920] =	vst v0  }
0x14: {  	[tilespmem:$0x13D20] =	vst v1  }
0x15: {  	[tilespmem:$0x14120] =	vst v2  }
0x16: {  	[tilespmem:$0x13930] =	vst v0  }
0x17: {  	[tilespmem:$0x13D30] =	vst v1  }
0x18: {  	[tilespmem:$0x14130] =	vst v2  }
0x19: {  	[tilespmem:$0x13940] =	vst v0  }
0x1a: {  	[tilespmem:$0x13D40] =	vst v1  }
0x1b: {  	[tilespmem:$0x14140] =	vst v2  }
0x1c: {  	[tilespmem:$0x13950] =	vst v0  }
0x1d: {  	[tilespmem:$0x13D50] =	vst v1  }
0x1e: {  	[tilespmem:$0x14150] =	vst v2  }
0x1f: {  	[tilespmem:$0x13960] =	vst v0  }
0x20: {  	[tilespmem:$0x13D60] =	vst v1  }
0x21: {  	[tilespmem:$0x14160] =	vst v2  }
0x22: {  	[tilespmem:$0x13970] =	vst v0  }
0x23: {  	[tilespmem:$0x13D70] =	vst v1  }
0x24: {  	[tilespmem:$0x14170] =	vst v2  }
0x25: {  	[tilespmem:$0x13980] =	vst v0  }
0x26: {  	[tilespmem:$0x13D80] =	vst v1  }
0x27: {  	[tilespmem:$0x14180] =	vst v2  }
0x28: {  	[tilespmem:$0x13990] =	vst v0  }
0x29: {  	[tilespmem:$0x13D90] =	vst v1  }
0x2a: {  	[tilespmem:$0x14190] =	vst v2  }
0x2b: {  	[tilespmem:$0x139A0] =	vst v0  }
0x2c: {  	[tilespmem:$0x13DA0] =	vst v1  }
0x2d: {  	[tilespmem:$0x141A0] =	vst v2  }
0x2e: {  	[tilespmem:$0x139B0] =	vst v0  }
0x2f: {  	[tilespmem:$0x13DB0] =	vst v1  }
0x30: {  	[tilespmem:$0x141B0] =	vst v2  }
0x31: {  	[tilespmem:$0x139C0] =	vst v0  }
0x32: {  	[tilespmem:$0x13DC0] =	vst v1  }
0x33: {  	[tilespmem:$0x141C0] =	vst v2  }
0x34: {  	[tilespmem:$0x139D0] =	vst v0  }
0x35: {  	[tilespmem:$0x13DD0] =	vst v1  }
0x36: {  	[tilespmem:$0x141D0] =	vst v2  }
0x37: {  	[tilespmem:$0x139E0] =	vst v0  }
0x38: {  	[tilespmem:$0x13DE0] =	vst v1  }
0x39: {  	[tilespmem:$0x141E0] =	vst v2  }
0x3a: {  	[tilespmem:$0x139F0] =	vst v0  }
0x3b: {  	[tilespmem:$0x13DF0] =	vst v1  }
0x3c: {  	[tilespmem:$0x141F0] =	vst v2  }
0x3d: {  	[tilespmem:$0x13A00] =	vst v0  }
0x3e: {  	[tilespmem:$0x13E00] =	vst v1  }
0x3f: {  	[tilespmem:$0x14200] =	vst v2  }
0x40: {  	[tilespmem:$0x13A10] =	vst v0  }
0x41: {  	[tilespmem:$0x13E10] =	vst v1  }
0x42: {  	[tilespmem:$0x14210] =	vst v2  }
0x43: {  	[tilespmem:$0x13A20] =	vst v0  }
0x44: {  	[tilespmem:$0x13E20] =	vst v1  }
0x45: {  	[tilespmem:$0x14220] =	vst v2  }
0x46: {  	[tilespmem:$0x13A30] =	vst v0  }
0x47: {  	[tilespmem:$0x13E30] =	vst v1  }
0x48: {  	[tilespmem:$0x14230] =	vst v2  }
0x49: {  	[tilespmem:$0x13A40] =	vst v0  }
0x4a: {  	[tilespmem:$0x13E40] =	vst v1  }
0x4b: {  	[tilespmem:$0x14240] =	vst v2  }
0x4c: {  	[tilespmem:$0x13A50] =	vst v0  }
0x4d: {  	[tilespmem:$0x13E50] =	vst v1  }
0x4e: {  	[tilespmem:$0x14250] =	vst v2  }
0x4f: {  	[tilespmem:$0x13A60] =	vst v0  }
0x50: {  	[tilespmem:$0x13E60] =	vst v1  }
0x51: {  	[tilespmem:$0x14260] =	vst v2  }
0x52: {  	[tilespmem:$0x13A70] =	vst v0  }
0x53: {  	[tilespmem:$0x13E70] =	vst v1  }
0x54: {  	[tilespmem:$0x14270] =	vst v2  }
0x55: {  	[tilespmem:$0x13A80] =	vst v0  }
0x56: {  	[tilespmem:$0x13E80] =	vst v1  }
0x57: {  	[tilespmem:$0x14280] =	vst v2  }
0x58: {  	[tilespmem:$0x13A90] =	vst v0  }
0x59: {  	[tilespmem:$0x13E90] =	vst v1  }
0x5a: {  	[tilespmem:$0x14290] =	vst v2  }
0x5b: {  	[tilespmem:$0x13AA0] =	vst v0  }
0x5c: {  	[tilespmem:$0x13EA0] =	vst v1  }
0x5d: {  	[tilespmem:$0x142A0] =	vst v2  }
0x5e: {  	[tilespmem:$0x13AB0] =	vst v0  }
0x5f: {  	[tilespmem:$0x13EB0] =	vst v1  }
0x60: {  	[tilespmem:$0x142B0] =	vst v2  }
0x61: {  	[tilespmem:$0x13AC0] =	vst v0  }
0x62: {  	[tilespmem:$0x13EC0] =	vst v1  }
0x63: {  	[tilespmem:$0x142C0] =	vst v2  }
0x64: {  	[tilespmem:$0x13AD0] =	vst v0  }
0x65: {  	[tilespmem:$0x13ED0] =	vst v1  }
0x66: {  	[tilespmem:$0x142D0] =	vst v2  }
0x67: {  	[tilespmem:$0x13AE0] =	vst v0  }
0x68: {  	[tilespmem:$0x13EE0] =	vst v1  }
0x69: {  	[tilespmem:$0x142E0] =	vst v2  }
0x6a: {  	[tilespmem:$0x13AF0] =	vst v0  }
0x6b: {  	[tilespmem:$0x13EF0] =	vst v1  }
0x6c: {  	[tilespmem:$0x142F0] =	vst v2  }
0x6d: {  	[tilespmem:$0x13B00] =	vst v0  }
0x6e: {  	[tilespmem:$0x13F00] =	vst v1  }
0x6f: {  	[tilespmem:$0x14300] =	vst v2  }
0x70: {  	[tilespmem:$0x13B10] =	vst v0  }
0x71: {  	[tilespmem:$0x13F10] =	vst v1  }
0x72: {  	[tilespmem:$0x14310] =	vst v2  }
0x73: {  	[tilespmem:$0x13B20] =	vst v0  }
0x74: {  	[tilespmem:$0x13F20] =	vst v1  }
0x75: {  	[tilespmem:$0x14320] =	vst v2  }
0x76: {  	[tilespmem:$0x13B30] =	vst v0  }
0x77: {  	[tilespmem:$0x13F30] =	vst v1  }
0x78: {  	[tilespmem:$0x14330] =	vst v2  }
0x79: {  	[tilespmem:$0x13B40] =	vst v0  }
0x7a: {  	[tilespmem:$0x13F40] =	vst v1  }
0x7b: {  	[tilespmem:$0x14340] =	vst v2  }
0x7c: {  	[tilespmem:$0x13B50] =	vst v0  }
0x7d: {  	[tilespmem:$0x13F50] =	vst v1  }
0x7e: {  	[tilespmem:$0x14350] =	vst v2  }
0x7f: {  	[tilespmem:$0x13B60] =	vst v0  }
0x80: {  	[tilespmem:$0x13F60] =	vst v1  }
0x81: {  	[tilespmem:$0x14360] =	vst v2  }
0x82: {  	[tilespmem:$0x13B70] =	vst v0  }
0x83: {  	[tilespmem:$0x13F70] =	vst v1  }
0x84: {  	[tilespmem:$0x14370] =	vst v2  }
0x85: {  	[tilespmem:$0x13B80] =	vst v0  }
0x86: {  	[tilespmem:$0x13F80] =	vst v1  }
0x87: {  	[tilespmem:$0x14380] =	vst v2  }
0x88: {  	[tilespmem:$0x13B90] =	vst v0  }
0x89: {  	[tilespmem:$0x13F90] =	vst v1  }
0x8a: {  	[tilespmem:$0x14390] =	vst v2  }
0x8b: {  	[tilespmem:$0x13BA0] =	vst v0  }
0x8c: {  	[tilespmem:$0x13FA0] =	vst v1  }
0x8d: {  	[tilespmem:$0x143A0] =	vst v2  }
0x8e: {  	[tilespmem:$0x13BB0] =	vst v0  }
0x8f: {  	[tilespmem:$0x13FB0] =	vst v1  }
0x90: {  	[tilespmem:$0x143B0] =	vst v2  }
0x91: {  	[tilespmem:$0x13BC0] =	vst v0  }
0x92: {  	[tilespmem:$0x13FC0] =	vst v1  }
0x93: {  	[tilespmem:$0x143C0] =	vst v2  }
0x94: {  	[tilespmem:$0x13BD0] =	vst v0  }
0x95: {  	[tilespmem:$0x13FD0] =	vst v1  }
0x96: {  	[tilespmem:$0x143D0] =	vst v2  }
0x97: {  	[tilespmem:$0x13BE0] =	vst v0  }
0x98: {  	[tilespmem:$0x13FE0] =	vst v1  }
0x99: {  	[tilespmem:$0x143E0] =	vst v2  }
0x9a: {  	[tilespmem:$0x13BF0] =	vst v0  }
0x9b: {  	[tilespmem:$0x13FF0] =	vst v1  }
0x9c: {  	[tilespmem:$0x143F0] =	vst v2  }
0x9d: {  	[tilespmem:$0x13C00] =	vst v0  }
0x9e: {  	[tilespmem:$0x14000] =	vst v1  }
0x9f: {  	[tilespmem:$0x14400] =	vst v2  }
0xa0: {  	[tilespmem:$0x13C10] =	vst v0  }
0xa1: {  	[tilespmem:$0x14010] =	vst v1  }
0xa2: {  	[tilespmem:$0x14410] =	vst v2  }
0xa3: {  	[tilespmem:$0x13C20] =	vst v0  }
0xa4: {  	[tilespmem:$0x14020] =	vst v1  }
0xa5: {  	[tilespmem:$0x14420] =	vst v2  }
0xa6: {  	[tilespmem:$0x13C30] =	vst v0  }
0xa7: {  	[tilespmem:$0x14030] =	vst v1  }
0xa8: {  	[tilespmem:$0x14430] =	vst v2  }
0xa9: {  	[tilespmem:$0x13C40] =	vst v0  }
0xaa: {  	[tilespmem:$0x14040] =	vst v1  }
0xab: {  	[tilespmem:$0x14440] =	vst v2  }
0xac: {  	[tilespmem:$0x13C50] =	vst v0  }
0xad: {  	[tilespmem:$0x14050] =	vst v1  }
0xae: {  	[tilespmem:$0x14450] =	vst v2  }
0xaf: {  	[tilespmem:$0x13C60] =	vst v0  }
0xb0: {  	[tilespmem:$0x14060] =	vst v1  }
0xb1: {  	[tilespmem:$0x14460] =	vst v2  }
0xb2: {  	[tilespmem:$0x13C70] =	vst v0  }
0xb3: {  	[tilespmem:$0x14070] =	vst v1  }
0xb4: {  	[tilespmem:$0x14470] =	vst v2  }
0xb5: {  	[tilespmem:$0x13C80] =	vst v0  }
0xb6: {  	[tilespmem:$0x14080] =	vst v1  }
0xb7: {  	[tilespmem:$0x14480] =	vst v2  }
0xb8: {  	[tilespmem:$0x13C90] =	vst v0  }
0xb9: {  	[tilespmem:$0x14090] =	vst v1  }
0xba: {  	[tilespmem:$0x14490] =	vst v2  }
0xbb: {  	[tilespmem:$0x13CA0] =	vst v0  }
0xbc: {  	[tilespmem:$0x140A0] =	vst v1  }
0xbd: {  	[tilespmem:$0x144A0] =	vst v2  }
0xbe: {  	[tilespmem:$0x13CB0] =	vst v0  }
0xbf: {  	[tilespmem:$0x140B0] =	vst v1  }
0xc0: {  	[tilespmem:$0x144B0] =	vst v2  }
0xc1: {  	[tilespmem:$0x13CC0] =	vst v0  }
0xc2: {  	[tilespmem:$0x140C0] =	vst v1  }
0xc3: {  	[tilespmem:$0x144C0] =	vst v2  }
0xc4: {  	[tilespmem:$0x13CD0] =	vst v0  }
0xc5: {  	[tilespmem:$0x140D0] =	vst v1  }
0xc6: {  	[tilespmem:$0x144D0] =	vst v2  }
0xc7: {  	[tilespmem:$0x13CE0] =	vst v0  }
0xc8: {  	[tilespmem:$0x140E0] =	vst v1  }
0xc9: {  	[tilespmem:$0x144E0] =	vst v2  }
0xca: {  	[tilespmem:$0x13CF0] =	vst v0  }
0xcb: {  	[tilespmem:$0x140F0] =	vst v1  }
0xcc: {  	[tilespmem:$0x144F0] =	vst v2;
	s16 =	simm.s32 $0x0  }
.LBB2_2:
0xcd: {  	s17 =	smul.u32 $0x9C40, s16;
	_ =	sdelay $0x1  }
0xce: {  	s17 =	sadd.s32 s5, s17  }
0xcf: {  	s17 =	sshrl.u32 s17, $0x3  }
0xd0: {  	s18 =	sadd.s32 s1, s17  }
0xd1: {  	[tilespmem:s19], [sflag:$0x1] =	stream.linear.gather [hbm4b:s18+s19], $0x9C40, $0x38;
	[tilespmem:$0x14500] =	vst v63  }
0xd2: {  	_ =	swait.ge [sflag:s10], $0x9C40  }
0xd3: {  	[sflag:s10] =	ssyncset.done $0x0  }
0xd4: {  	s17 =	sadd.s32 s3, s17;
	[sflag:s10] =	ssyncadd.s32 $0xFFFF63C0  }
0xd5: {  	[tilespmem:s11], [sflag:$0x1] =	stream.linear.gather [hbm4b:s17+s19], $0x9C40, $0x38;
	[tilespmem:$0x14500] =	vst v63  }
0xd6: {  	_ =	swait.ge [sflag:s10], $0x9C40  }
0xd7: {  	[sflag:s10] =	ssyncset.done $0x0  }
0xd8: {  	s18 =	simm.s32 $0x0;
	s17 =	simm.s32 $0x40;
	[sflag:s10] =	ssyncadd.s32 $0xFFFF63C0  }
.LBB2_3:
0xd9: {  	p0 =	sne.s32 s17, $0x270C0;
	v5 =	vld [tilespmem:s18+$0x9C80]  }
0xda: {  	v6 =	vld [tilespmem:s18+$0x0];
	_ =	sdelay $0x3  }
0xdb: {  	v5 =	vshll.u32 v5, $0x4  }
0xdc: {  	v5 =	vor.u32 v3, v5;
	_ =	sdelay $0x4  }
0xdd: {  	[tilespmem:v5+s12+$0x0] =	vst.idx.add.f32.msk $0xffff, v4  }
0xde: {  	v7 =	vld.idx.msk [tilespmem:v5+s13+$0x0], $0xffff;
	_ =	sdelay $0x5  }
0xdf: {  	v7 =	vmin.f32 v7, v6  }
0xe0: {  	[tilespmem:v5+s13+$0x0] =	vst.idx.msk $0xffff, v7  }
0xe1: {  	v7 =	vld.idx.msk [tilespmem:v5+s14+$0x0], $0xffff;
	_ =	sdelay $0x2  }
.Ltmp0:
0xe2: {  	(pc) =	sbr.rel @p0 .LBB2_3-.Ltmp0, $3  }
0xe3: {  	_ =	sdelay $0x1  }
0xe4: {  	v6 =	vmax.f32 v7, v6  }
0xe5: {  	s18 =	sshra.s32 s17, $0x2;
	s17 =	sadd.s32 $0x40, s17;
	[tilespmem:v5+s14+$0x0] =	vst.idx.msk $0xffff, v6  }
0xe6: {  	v5 =	vld [tilespmem:s18+$0x9C80];
	_ =	sdelay $0x4  }
0xe7: {  	v5 =	vshll.u32 v5, $0x4  }
0xe8: {  	v5 =	vor.u32 v3, v5;
	_ =	sdelay $0x3  }
0xe9: {  	v6 =	vld [tilespmem:s18+$0x0]  }
0xea: {  	[tilespmem:v5+s12+$0x0] =	vst.idx.add.f32.msk $0xffff, v4  }
0xeb: {  	v7 =	vld.idx.msk [tilespmem:v5+s13+$0x0], $0xffff;
	_ =	sdelay $0x4  }
0xec: {  	v7 =	vmin.f32 v7, v6  }
0xed: {  	[tilespmem:v5+s13+$0x0] =	vst.idx.msk $0xffff, v7  }
0xee: {  	s16 =	sadd.s32 $0x1, s16;
	v7 =	vld.idx.msk [tilespmem:v5+s14+$0x0], $0xffff  }
0xef: {  	p0 =	sne.s32 s16, $0x5  }
.Ltmp1:
0xf0: {  	_ = 	snop;
	(pc) =	sbr.rel @p0 .LBB2_2-.Ltmp1, $3  }
0xf1: {  	_ =	sdelay $0x1  }
0xf2: {  	v6 =	vmax.f32 v7, v6  }
0xf3: {  	[tilespmem:v5+s14+$0x0] =	vst.idx.msk $0xffff, v6  }
0xf4: {  	[hbm4b:s6+s4] =	stream.linear.scatter [tilespmem:s12], [sflag:$0x1], $0x400, $0x38;
	[tilespmem:$0x14500] =	vst v63  }
0xf5: {  	_ =	swait.ge [sflag:s10], $0x400  }
0xf6: {  	[sflag:s10] =	ssyncset.done $0x0  }
0xf7: {  	[sflag:s10] =	ssyncadd.s32 $0xFFFFFC00  }
0xf8: {  	[hbm4b:s7+s4] =	stream.linear.scatter [tilespmem:s13], [sflag:$0x1], $0x400, $0x38;
	[tilespmem:$0x14500] =	vst v63  }
0xf9: {  	s15 =	sadd.s32 $0x1, s15;
	_ =	swait.ge [sflag:s10], $0x400  }
0xfa: {  	p0 =	sne.s32 s15, s9;
	[sflag:s10] =	ssyncset.done $0x0  }
.Ltmp2:
0xfb: {  	[sflag:s10] =	ssyncadd.s32 $0xFFFFFC00;
	(pc) =	sbr.rel @p0 .LBB2_1-.Ltmp2, $4  }
0xfc: {  	[hbm4b:s8+s4] =	stream.linear.scatter [tilespmem:s14], [sflag:$0x1], $0x400, $0x38;
	[tilespmem:$0x14500] =	vst v63  }
0xfd: {  	_ =	swait.ge [sflag:s10], $0x400  }
0xfe: {  	[sflag:s10] =	ssyncset.done $0x0  }
0xff: {  	[sflag:s10] =	ssyncadd.s32 $0xFFFFFC00  }
0x100: {  	_ =	sfence.sel $0x180000  }
0x101: {  	[bflag:$0x0] =	sbarrier.arrive $0xFFFF  }
0x102: {  	p0 =	sne.s32 s2, $0x0;
	_ =	strace $0x90000047  }
0x103: {  	s0 =	sadd.s32 @!p0 $0x100000, s0;
	[bflag:$0x2] =	sbarrier.arrive $0xFFFF  }
0x104: {  	[sflag:s0] =	ssyncadd.tile.s32 @!p0 $0x1;
	_ =	shalt  }
.Lfunc_end2:
_tile_overlayer_lowered:
.L_overlay_start_2:
0x105: {  	(tag) =	ssettag $0x2  }
0x106: {  	s0 =	rddreg [dreg:$0x0];
	s2 =	stileid.u32  }
0x107: {  	s1 =	rddreg [dreg:$0x1];
	p0 =	sne.s32 s2, $0x0  }
0x108: {  	s3 =	rddreg [dreg:$0x2];
	[bflag:$0x3] =	sbarrier.arrive $0xFFFF;
	s2 =	simm.s32 @!p0 $0x1C01  }
0x109: {  	[timem:s3], [sflag:s2] =	dma.local @!p0 [hbm:s0], s1  }
0x10a: {  	s0 =	simm.s32 @!p0 $0x1  }
0x10b: {  	_ =	swait.ge @!p0 [sflag:s0], s1  }
0x10c: {  	s1 =	ssub.s32 @!p0 $0x0, s1;
	[sflag:s0] =	ssyncset.done @!p0 $0x0  }
0x10d: {  	[sflag:s0] =	ssyncadd.s32 @!p0 s1  }
0x10e: {  	[bflag:$0x3] =	sbarrier.arrive $0xFFFF  }
0x10f: {  	_ =	shalt  }

// kernel: kernel.7.cloned.1.call-start
scs
__scs_entry_jumppad:
0x0: {  	(pc) =	sbr.rel $0x88, $3  }
0x1: {  	(tag) =	ssettag $0x0;
	lr =	simm.s32 $0x1  }
0x2: {  	[smem:$0x3F9F] =	sst lr;
	_ =	strace $0xD0000000  }
0x3: {  	_ = 	snop  }
0x4: {  	_ = 	snop  }
0x5: {  	_ = 	snop  }
0x6: {  	_ = 	snop  }
0x7: {  	_ = 	snop  }
__scs_overlays_trampoline_lowered:
0x8: {  	[smem:$0x3FAE] =	sst s0  }
0x9: {  	[smem:$0x3FAF] =	sst s1  }
0xa: {  	[smem:$0x3FB0] =	sst s2  }
0xb: {  	[smem:$0x3FB1] =	sst s3  }
0xc: {  	[smem:$0x3FB2] =	sst s4  }
0xd: {  	[smem:$0x3FB3] =	sst s5  }
0xe: {  	[smem:$0x3FB4] =	sst s6  }
0xf: {  	[smem:$0x3FB5] =	sst s7  }
0x10: {  	[smem:$0x3FB6] =	sst s8  }
0x11: {  	[smem:$0x3FB7] =	sst s9;
	s0 =	simm.s32 @!p0 $0x0  }
0x12: {  	s1 =	sld [smem:$0x3F9D];
	s0 =	simm.s32 @p0 $0x1  }
0x13: {  	[smem:$0x3FB8] =	sst s0;
	s0 =	simm.s32 @!p1 $0x0  }
0x14: {  	s2 =	sld [smem:$0x3F9C];
	s0 =	simm.s32 @p1 $0x1  }
0x15: {  	[smem:$0x3FB9] =	sst s0;
	s0 =	simm.s32 @!p2 $0x0  }
0x16: {  	s3 =	sld [smem:$0x3FDB];
	s0 =	simm.s32 @p2 $0x1  }
0x17: {  	s4 =	simm.s32 $0x1BF5;
	[smem:$0x3FBB] =	sst s0  }
0x18: {  	s0 =	sld [smem:$0x3F9E];
	_ =	swait.ge [sflag:s4], $0x0  }
0x19: {  	s7 =	sld [smem:$0x3F9F]  }
0x1a: {  	s8 =	sadd.s32 $0xFFFFE003, lr  }
0x1b: {  	s9 =	sadd.s32 $0xFFFFFEF7, lr;
	s5 =	simm.s32 $0xFFFFFFFF;
	p2 =	slt.u32 s8, $0xFFFFF086  }
0x1c: {  	p1 =	slt.u32 s9, $0xF7A;
	s5 =	simm.s32 @!p2 $0x0  }
0x1d: {  	s5 =	simm.s32 @p1 $0x1;
	p0 =	seq.s32 s7, s2  }
0x1e: {  	s7 =	smul.u32 @!p0 $0xF7A, s2;
	p2 =	seq.s32 @!p0 s5, $0x0  }
0x1f: {  	s9 =	smul.u32 $0xF7A, s1;
	s8 =	simm.s32 @!p0 $0x1BF5;
	p2 =	por !p2, p0  }
0x20: {  	[sflag:s8] =	ssyncset.s32 @!p0 $0xFFFFF086;
	s6 =	sadd.s32 @!p0 s3, s7;
	s7 =	simm.s32 @!p0 $0x108  }
0x21: {  	s3 =	sadd.s32 s3, s9;
	s6 =	sadd.s32 @!p0 $0x88, s6;
	s7 =	simm.s32 @p2 $0x1082  }
0x22: {  	[simem:s7], [sflag:s8] =	dma.local @!p0 [hbm:s6], $0xF7A  }
0x23: {  	s9 =	sor.u32 $0xD0000000, s2;
	s6 =	simm.s32 $0x108;
	_ =	swait.ge @!p0 [sflag:s8], $0x0  }
0x24: {  	s3 =	sadd.s32 $0x88, s3;
	s6 =	simm.s32 @!p1 $0x1082;
	[sflag:s4] =	ssyncset.s32 $0xFFFFF086  }
0x25: {  	[simem:s6], [sflag:s4] =	dma.local [hbm:s3], $0xF7A  }
0x26: {  	[smem:$0x3F9F] =	sst s1;
	(tag) =	ssettag s2;
	_ =	strace s9  }
0x27: {  	s1 =	sld [smem:$0x3FAF]  }
0x28: {  	s2 =	sld [smem:$0x3FB0]  }
0x29: {  	s4 =	sld [smem:$0x3FB2]  }
0x2a: {  	p0 =	seq.s32 s5, $0x0;
	s5 =	sld [smem:$0x3FB3]  }
0x2b: {  	s6 =	sld [smem:$0x3FB4]  }
0x2c: {  	s7 =	sld [smem:$0x3FB5]  }
0x2d: {  	s3 =	simm.s32 $0x108;
	s8 =	sld [smem:$0x3FB6]  }
0x2e: {  	s3 =	simm.s32 @!p0 $0x1082;
	s9 =	sld [smem:$0x3FB7]  }
0x2f: {  	lr =	sadd.s32 s0, s3;
	s0 =	sld [smem:$0x3FAE]  }
0x30: {  	s3 =	sld [smem:$0x3FB1]  }
0x31: {  	[smem:$0x3FBA] =	sst s10  }
0x32: {  	s10 =	sld [smem:$0x3FB8];
	_ =	sdelay $0x3  }
0x33: {  	p0 =	seq.s32 s10, $0x1;
	s10 =	sld [smem:$0x3FBA];
	_ =	sdelay $0x3  }
0x34: {  	[smem:$0x3FBA] =	sst s10  }
0x35: {  	s10 =	sld [smem:$0x3FB9];
	_ =	sdelay $0x3  }
0x36: {  	p1 =	seq.s32 s10, $0x1;
	s10 =	sld [smem:$0x3FBA];
	_ =	sdelay $0x3  }
0x37: {  	[smem:$0x3FBA] =	sst s10  }
0x38: {  	s10 =	sld [smem:$0x3FBB]  }
0x39: {  	_ = 	snop;
	(pc) =	sbr.ind lr, $3  }
0x3a: {  	_ = 	snop  }
0x3b: {  	_ = 	snop  }
0x3c: {  	p2 =	seq.s32 s10, $0x1;
	s10 =	sld [smem:$0x3FBA]  }
0x3d: {  	_ =	shalt  }
0x3e: {  	_ =	shalt  }
0x3f: {  	_ =	shalt  }
0x40: {  	_ =	shalt  }
0x41: {  	_ =	shalt  }
0x42: {  	_ =	shalt  }
0x43: {  	_ =	shalt  }
0x44: {  	_ =	shalt  }
0x45: {  	_ =	shalt  }
0x46: {  	_ =	shalt  }
0x47: {  	_ =	shalt  }
0x48: {  	_ =	shalt  }
0x49: {  	_ =	shalt  }
0x4a: {  	_ =	shalt  }
0x4b: {  	_ =	shalt  }
0x4c: {  	_ =	shalt  }
0x4d: {  	_ =	shalt  }
0x4e: {  	_ =	shalt  }
0x4f: {  	_ =	shalt  }
0x50: {  	_ =	shalt  }
0x51: {  	_ =	shalt  }
0x52: {  	_ =	shalt  }
0x53: {  	_ =	shalt  }
0x54: {  	_ =	shalt  }
0x55: {  	_ =	shalt  }
0x56: {  	_ =	shalt  }
0x57: {  	_ =	shalt  }
0x58: {  	_ =	shalt  }
0x59: {  	_ =	shalt  }
0x5a: {  	_ =	shalt  }
0x5b: {  	_ =	shalt  }
0x5c: {  	_ =	shalt  }
0x5d: {  	_ =	shalt  }
0x5e: {  	_ =	shalt  }
0x5f: {  	_ =	shalt  }
0x60: {  	_ =	shalt  }
0x61: {  	_ =	shalt  }
0x62: {  	_ =	shalt  }
0x63: {  	_ =	shalt  }
0x64: {  	_ =	shalt  }
0x65: {  	_ =	shalt  }
0x66: {  	_ =	shalt  }
0x67: {  	_ =	shalt  }
0x68: {  	_ =	shalt  }
0x69: {  	_ =	shalt  }
0x6a: {  	_ =	shalt  }
0x6b: {  	_ =	shalt  }
0x6c: {  	_ =	shalt  }
0x6d: {  	_ =	shalt  }
0x6e: {  	_ =	shalt  }
0x6f: {  	_ =	shalt  }
0x70: {  	_ =	shalt  }
0x71: {  	_ =	shalt  }
0x72: {  	_ =	shalt  }
0x73: {  	_ =	shalt  }
0x74: {  	_ =	shalt  }
0x75: {  	_ =	shalt  }
0x76: {  	_ =	shalt  }
0x77: {  	_ =	shalt  }
0x78: {  	_ =	shalt  }
0x79: {  	_ =	shalt  }
0x7a: {  	_ =	shalt  }
0x7b: {  	_ =	shalt  }
0x7c: {  	_ =	shalt  }
0x7d: {  	_ =	shalt  }
0x7e: {  	_ =	shalt  }
0x7f: {  	_ =	shalt  }
0x80: {  	_ =	shalt  }
0x81: {  	_ =	shalt  }
0x82: {  	_ =	shalt  }
0x83: {  	_ =	shalt  }
0x84: {  	_ =	shalt  }
0x85: {  	_ =	shalt  }
0x86: {  	_ =	shalt  }
0x87: {  	_ =	shalt  }
.Lfunc_end0:
.L_simem_size_0:
called_computation.2_lowered:
.L_overlay_start_0:
0x88: {  	s2 =	sld [smem:$0x3FD9]  }
0x89: {  	s3 =	sld [smem:$0x3FFE];
	_ =	sdelay $0x1  }
0x8a: {  	s1 =	srdreg.scid  }
0x8b: {  	s0 =	sand.u32 $0x1, s1  }
0x8c: {  	s17 =	sshll.u32 s0, $0xA;
	s2 =	sadd.s32 s3, s2  }
0x8d: {  	s2 =	sadd.s32 s2, s17  }
0x8e: {  	[smem:$0x3FC6] =	sst s2  }
0x8f: {  	_ = 	snop  }
0x90: {  	s2 =	sld [smem:$0x3FC9]  }
0x91: {  	s18 =	sld [smem:$0x3FC8]  }
0x92: {  	s4 =	sld [smem:$0x3FD0];
	(tm) =	ssettm $0x1  }
0x93: {  	s5 =	sld [smem:$0x3FFB];
	_ =	sdelay $0x3  }
0x94: {  	_ =	strace s5  }
0x95: {  	s5 =	sld [smem:$0x3FFC];
	_ =	sdelay $0x3  }
0x96: {  	_ =	strace s5  }
0x97: {  	s5 =	sld [smem:$0x3FFD];
	_ =	sdelay $0x3  }
0x98: {  	_ =	strace s5  }
0x99: {  	_ =	strace $0x8FFFFFFF  }
0x9a: {  	s19 =	sld [smem:$0x3FDB];
	_ =	sdelay $0x1  }
0x9b: {  	s6 =	simm.s32 $_scs_section_size  }
0x9c: {  	s7 =	simm.s32 $_size__tile_overlayer_lowered;
	s8 =	simm.s32 $_tile_overlayer_lowered  }
0x9d: {  	s22 =	simm.s32 $0x1BFF;
	s21 =	sshll.u32 s8, $0x1;
	s5 =	sadd.s32 s6, s19  }
0x9e: {  	s9 =	simm.s32 $0x0;
	s20 =	sshll.u32 s7, $0x1;
	s7 =	sadd.s32 s21, s5  }
0x9f: {  	[timem:s9], [sflag:s22] =	dma.local [hbm:s7], s20  }
0xa0: {  	_ =	swait.ge [sflag:s22], s20  }
0xa1: {  	s6 =	ssub.s32 $0x0, s20;
	[sflag:s22] =	ssyncset.done $0x0  }
0xa2: {  	[sflag:s22] =	ssyncadd.s32 s6;
	_ =	sdelay $0x1  }
0xa3: {  	s23 =	simm.s32 $0x1B8B  }
0xa4: {  	_ =	swait.ge [sflag:s23], $0x1  }
0xa5: {  	[sflag:s23] =	ssyncset.done $0x0  }
0xa6: {  	s25 =	simm.s32 $0x1B8E;
	s24 =	sld [smem:$0x3FFE];
	[sflag:s23] =	ssyncadd.s32 $0xFFFFFFFF  }
0xa7: {  	s26 =	simm.s32 $execute0_lowered;
	[smem:$0x3FD2] =	sst s25  }
0xa8: {  	s7 =	sshll.u32 s26, $0x1;
	_ =	strace $0x8000004C;
	[dreg:$0x1] =	wrdreg $0xFFFFFFFF  }
0xa9: {  	s28 =	simm.s32 $_size_execute0_lowered;
	s5 =	sadd.s32 s5, s7;
	[dreg:$0x0] =	wrdreg $0x0  }
0xaa: {  	s7 =	sshll.u32 s28, $0x1;
	[dreg:$0x2] =	wrdreg s5  }
0xab: {  	[dreg:$0x3] =	wrdreg s7  }
0xac: {  	[dreg:$0x4] =	wrdreg $0xC0  }
0xad: {  	_ =	task [dreg:s9], $0x5FFFF  }
0xae: {  	[dreg:$0x1] =	wrdreg $0xFFFFFFFF  }
0xaf: {  	[dreg:$0x0] =	wrdreg $0x60  }
0xb0: {  	[dreg:$0x2] =	wrdreg s2  }
0xb1: {  	[dreg:$0x3] =	wrdreg s18  }
0xb2: {  	[dreg:$0x4] =	wrdreg s24  }
0xb3: {  	[dreg:$0x5] =	wrdreg s4  }
0xb4: {  	[dreg:$0x6] =	wrdreg $0x9  }
0xb5: {  	_ =	task.clear_ibuf [dreg:s9], $0x7FFFF;
	_ =	strace $0x9000004C  }
0xb6: {  	s29 =	simm.s32 $0x9;
	_ =	strace $0x8000004E  }
0xb7: {  	_ =	swait.ge [sflag:s29], $0x1  }
0xb8: {  	[sflag:s29] =	ssyncadd.s32 $0xFFFFFFFF  }
0xb9: {  	_ =	strace $0x9000004E  }
0xba: {  	_ =	sfence  }
0xbb: {  	s30 =	sld [smem:$0x0];
	_ =	sdelay $0x2  }
0xbc: {  	s31 =	sshll.u32 s1, $0xD;
	s1 =	sshrl.u32 s1, $0x2  }
0xbd: {  	s3 =	sand.u32 $0x4000, s31;
	s1 =	sadd.s32 s1, s30  }
0xbe: {  	s0 =	sor.u32 s3, s0;
	s1 =	sshll.u32 s1, $0x11  }
0xbf: {  	s0 =	sor.u32 s1, s0  }
0xc0: {  	s0 =	sadd.s32 $0x8F2B, s0  }
0xc1: {  	[sflag:s0] =	ssyncadd.remote.s32 $0x1  }
0xc2: {  	_ =	sfence.sel $0xFFFF  }
0xc3: {  	[dreg:$0x0] =	wrdreg $0xFFFFFFFF;
	(pc) =	sbr.abs _section_cstart, $3  }
0xc4: {  	[dreg:$0x1] =	wrdreg $0xFFFFFFFF  }
0xc5: {  	_ =	task.clear_ibuf [dreg:s9], $0x2FFFF;
	_ =	strace $0x9FFFFFFF  }
0xc6: {  	(tm) =	ssettm $0x7FFFFFFF  }
0xc7: {  	_ =	shalt  }
tec
execute0_lowered:
.L_overlay_start_1:
0x0: {  	(tag) =	ssettag $0x1  }
0x1: {  	s1 =	rddreg [dreg:$0x0]  }
0x2: {  	s2 =	rddreg [dreg:$0x1]  }
0x3: {  	s3 =	rddreg [dreg:$0x2]  }
0x4: {  	s4 =	rddreg [dreg:$0x3]  }
0x5: {  	s0 =	rddreg [dreg:$0x4]  }
0x6: {  	s6 =	simm.s32 $0x0;
	s7 =	srdreg.scid;
	s5 =	stileid.u32  }
0x7: {  	s13 =	simm.s32 $0x1;
	s14 =	simm.s32 $0x1D600;
	s15 =	simm.s32 $0x1D680  }
0x8: {  	s16 =	simm.s32 $0x1D700;
	s17 =	simm.s32 $0x9C80;
	s18 =	simm.s32 $0x13900  }
0x9: {  	s19 =	simm.s32 $0x0;
	[smem:$0x7FF] =	sst s6;
	s9 =	sand.u32 $0x1, s7  }
0xa: {  	s7 =	sadd.s32 $0x400, s3;
	s11 =	sshll.u32 s5, $0x1;
	s10 =	ssub.s32 $0x2, s9  }
0xb: {  	s8 =	sadd.s32 $0x600, s3;
	_ =	strace $0x8000004D;
	s12 =	sshrl.u32 s10, $0x1  }
0xc: {  	s11 =	sor.u32 s9, s11;
	s9 =	sadd.s32 $0x200, s3;
	s12 =	ssub.s32 s10, s12  }
0xd: {  	s10 =	smul.u32 $0x30D40, s11;
	s11 =	smax.u32 s12, $0x1;
	s12 =	simm.s32 $0x1D580  }
.LBB2_1:
0xe: {  	[tilespmem:s12], [sflag:$0x1] =	stream.linear.gather [hbm4b:s7+s6], $0x80, $0x38;
	[tilespmem:$0x1D780] =	vst v63  }
0xf: {  	_ =	swait.ge [sflag:s13], $0x80  }
0x10: {  	[sflag:s13] =	ssyncset.done $0x0  }
0x11: {  	[sflag:s13] =	ssyncadd.s32 $0xFFFFFF80  }
0x12: {  	[tilespmem:s14], [sflag:$0x1] =	stream.linear.gather [hbm4b:s8+s6], $0x80, $0x38;
	[tilespmem:$0x1D780] =	vst v63  }
0x13: {  	_ =	swait.ge [sflag:s13], $0x80  }
0x14: {  	[sflag:s13] =	ssyncset.done $0x0  }
0x15: {  	[sflag:s13] =	ssyncadd.s32 $0xFFFFFF80  }
0x16: {  	[tilespmem:s15], [sflag:$0x1] =	stream.linear.gather [hbm4b:s9+s6], $0x80, $0x38;
	[tilespmem:$0x1D780] =	vst v63  }
0x17: {  	_ =	swait.ge [sflag:s13], $0x80  }
0x18: {  	[sflag:s13] =	ssyncset.done $0x0  }
0x19: {  	[sflag:s13] =	ssyncadd.s32 $0xFFFFFF80  }
0x1a: {  	[tilespmem:s16], [sflag:$0x1] =	stream.linear.gather [hbm4b:s3+s6], $0x80, $0x38;
	[tilespmem:$0x1D780] =	vst v63  }
0x1b: {  	_ =	swait.ge [sflag:s13], $0x80  }
0x1c: {  	[sflag:s13] =	ssyncset.done $0x0  }
0x1d: {  	s20 =	simm.s32 $0x0;
	[sflag:s13] =	ssyncadd.s32 $0xFFFFFF80  }
.LBB2_2:
0x1e: {  	s21 =	smul.u32 $0x9C40, s20;
	_ =	sdelay $0x1  }
0x1f: {  	s21 =	sadd.s32 s10, s21  }
0x20: {  	s21 =	sshrl.u32 s21, $0x3  }
0x21: {  	s22 =	sadd.s32 s1, s21  }
0x22: {  	[tilespmem:s6], [sflag:$0x1] =	stream.linear.gather [hbm4b:s22+s6], $0x9C40, $0x38;
	[tilespmem:$0x1D780] =	vst v63  }
0x23: {  	_ =	swait.ge [sflag:s13], $0x9C40  }
0x24: {  	[sflag:s13] =	ssyncset.done $0x0  }
0x25: {  	s26 =	sadd.s32 s2, s21;
	[sflag:s13] =	ssyncadd.s32 $0xFFFF63C0  }
0x26: {  	[tilespmem:s17], [sflag:$0x1] =	stream.linear.gather [hbm4b:s26+s6], $0x9C40, $0x38;
	[tilespmem:$0x1D780] =	vst v63  }
0x27: {  	_ =	swait.ge [sflag:s13], $0x9C40  }
0x28: {  	[sflag:s13] =	ssyncset.done $0x0  }
0x29: {  	s28 =	simm.s32 $0x9CA0;
	[sflag:s13] =	ssyncadd.s32 $0xFFFF63C0  }
0x2a: {  	v0 =	vld [tilespmem:s28+$0x10]  }
0x2b: {  	v1 =	vld [tilespmem:s28+$0xFFFFFFE0]  }
0x2c: {  	v2 =	vld [tilespmem:s28+$0xFFFFFFF0]  }
0x2d: {  	s29 =	simm.s32 $0x20;
	v3 =	vld [tilespmem:s28+$0x0]  }
0x2e: {  	v15 =	vld [tilespmem:s29+$0x10]  }
0x2f: {  	v17 =	vld [tilespmem:s29+$0xFFFFFFF0]  }
0x30: {  	s23 =	simm.s32 $0x9CE0;
	v9 =	vld [tilespmem:s29+$0x0]  }
0x31: {  	v18 =	vld [tilespmem:s23+$0xFFFFFFE0]  }
0x32: {  	v19 =	vld [tilespmem:s23+$0xFFFFFFF0]  }
0x33: {  	v20 =	vld [tilespmem:s23+$0x0]  }
0x34: {  	s30 =	simm.s32 $0x60;
	v21 =	vld [tilespmem:s29+$0xFFFFFFE0]  }
0x35: {  	v55 =	vld [tilespmem:s30+$0x10]  }
0x36: {  	v4 =	vld.idx.msk [tilespmem:v0+s12+$0x0], $0xffff  }
0x37: {  	v5 =	vld.idx.msk [tilespmem:v0+s14+$0x0], $0xffff  }
0x38: {  	v6 =	vld.idx.msk [tilespmem:v1+s12+$0x0], $0xffff  }
0x39: {  	v7 =	vld.idx.msk [tilespmem:v1+s14+$0x0], $0xffff  }
0x3a: {  	v8 =	vld.idx.msk [tilespmem:v2+s12+$0x0], $0xffff  }
0x3b: {  	v10 =	vld.idx.msk [tilespmem:v2+s14+$0x0], $0xffff  }
0x3c: {  	v11 =	vld.idx.msk [tilespmem:v3+s12+$0x0], $0xffff;
	v5 =	vsub.f32 v5, v4  }
0x3d: {  	v12 =	vld.idx.msk [tilespmem:v3+s14+$0x0], $0xffff  }
0x3e: {  	v13 =	vld.idx.msk [tilespmem:v1+s15+$0x0], $0xffff;
	(erf) = vrcp.f32 v5  }
0x3f: {  	v5 =	vld [tilespmem:s23+$0x10]  }
0x40: {  	v1 =	vld.idx.msk [tilespmem:v1+s16+$0x0], $0xffff;
	v7 =	vsub.f32 v7, v6  }
0x41: {  	v14 =	vld.idx.msk [tilespmem:v2+s15+$0x0], $0xffff;
	v10 =	vsub.f32 v10, v8  }
0x42: {  	v16 =	vld.idx.msk [tilespmem:v0+s15+$0x0], $0xffff;
	(erf) = vrcp.f32 v7  }
0x43: {  	v0 =	vld.idx.msk [tilespmem:v0+s16+$0x0], $0xffff;
	v12 =	vsub.f32 v12, v11;
	(erf) = vrcp.f32 v10  }
0x44: {  	v2 =	vld.idx.msk [tilespmem:v2+s16+$0x0], $0xffff  }
0x45: {  	v23 =	vld.idx.msk [tilespmem:v18+s14+$0x0], $0xffff  }
0x46: {  	v24 =	vld.idx.msk [tilespmem:v19+s12+$0x0], $0xffff;
	v4 =	vsub.f32 v15, v4  }
0x47: {  	(erf) = vrcp.f32 v12;
	v10 =	vld.idx.msk [tilespmem:v5+s12+$0x0], $0xffff;
	v12 =	vpop (erf)  }
0x48: {  	v0 =	vsub.f32 v0, v16;
	v22 =	vld.idx.msk [tilespmem:v5+s14+$0x0], $0xffff;
	v4 =	vmul.f32 v12, v4  }
0x49: {  	v26 =	vld.idx.msk [tilespmem:v20+s14+$0x0], $0xffff  }
0x4a: {  	v54 =	vld.idx.msk [tilespmem:v19+s15+$0x0], $0xffff;
	v0 =	vmul.f32 v0, v4  }
0x4b: {  	v8 =	vsub.f32 v17, v8;
	v7 =	vld.idx.msk [tilespmem:v3+s15+$0x0], $0xffff;
	v25 =	vpop (erf)  }
0x4c: {  	v6 =	vsub.f32 v21, v6;
	v3 =	vld.idx.msk [tilespmem:v3+s16+$0x0], $0xffff;
	v52 =	vpop (erf);
	v0 =	vadd.f32 v0, v16  }
0x4d: {  	v1 =	vsub.f32 v1, v13;
	v12 =	vld.idx.msk [tilespmem:v18+s12+$0x0], $0xffff;
	v8 =	vmul.f32 v52, v8;
	v22 =	vsub.f32 v22, v10  }
0x4e: {  	v2 =	vsub.f32 v2, v14;
	v4 =	vld.idx.msk [tilespmem:v19+s14+$0x0], $0xffff;
	(erf) = vrcp.f32 v0;
	v0 =	vmul.f32 v25, v6  }
0x4f: {  	v19 =	vld.idx.msk [tilespmem:v19+s16+$0x0], $0xffff;
	(erf) = vrcp.f32 v22  }
0x50: {  	v11 =	vsub.f32 v9, v11;
	v16 =	vld.idx.msk [tilespmem:v20+s12+$0x0], $0xffff;
	v2 =	vmul.f32 v2, v8;
	v0 =	vmul.f32 v1, v0  }
0x51: {  	s31 =	simm.s32 $0x9D20;
	v3 =	vsub.f32 v3, v7;
	v53 =	vpop (erf);
	v8 =	vld.idx.msk [tilespmem:v5+s15+$0x0], $0xffff  }
0x52: {  	v2 =	vadd.f32 v2, v14;
	v14 =	vld [tilespmem:s31+$0x10];
	v1 =	vmul.f32 v53, v11;
	v0 =	vadd.f32 v0, v13  }
0x53: {  	v5 =	vld.idx.msk [tilespmem:v5+s16+$0x0], $0xffff;
	v11 =	vsub.f32 v23, v12  }
0x54: {  	v6 =	vld.idx.msk [tilespmem:v18+s15+$0x0], $0xffff;
	v3 =	vmul.f32 v3, v1;
	(erf) = vrcp.f32 v0  }
0x55: {  	v18 =	vld.idx.msk [tilespmem:v18+s16+$0x0], $0xffff;
	v4 =	vsub.f32 v4, v24;
	(erf) = vrcp.f32 v11  }
0x56: {  	v1 =	vld [tilespmem:s30+$0xFFFFFFF0];
	v3 =	vadd.f32 v3, v7;
	(erf) = vrcp.f32 v2  }
0x57: {  	v10 =	vsub.f32 v55, v10;
	v13 =	vld [tilespmem:s31+$0xFFFFFFE0];
	v2 =	vsub.f32 v26, v16;
	v7 =	vpop (erf);
	(erf) = vrcp.f32 v4  }
0x58: {  	v0 =	vld [tilespmem:s30+$0x0];
	(erf) = vrcp.f32 v3;
	v11 =	vpop (erf)  }
0x59: {  	v5 =	vsub.f32 v5, v8;
	(erf) = vrcp.f32 v2;
	v10 =	vmul.f32 v11, v10;
	v2 =	vld [tilespmem:s30+$0xFFFFFFE0]  }
0x5a: {  	v58 =	vld.idx.msk [tilespmem:v14+s14+$0x0], $0xffff  }
0x5b: {  	v4 =	vld [tilespmem:s31+$0xFFFFFFF0];
	v5 =	vmul.f32 v5, v10  }
0x5c: {  	v3 =	vld [tilespmem:s31+$0x0]  }
0x5d: {  	v19 =	vsub.f32 v19, v54;
	v7 =	vmul.f32 v7, v15;
	v10 =	vld.idx.msk [tilespmem:v20+s15+$0x0], $0xffff;
	v5 =	vadd.f32 v5, v8  }
0x5e: {  	v18 =	vsub.f32 v18, v6;
	v20 =	vld.idx.msk [tilespmem:v20+s16+$0x0], $0xffff;
	v11 =	vpop (erf);
	v12 =	vsub.f32 v2, v12  }
0x5f: {  	vm0 =	vclass.f32 v7, $0x102;
	v28 =	vld.idx.msk [tilespmem:v13+s14+$0x0], $0xffff;
	v56 =	vpop (erf);
	v11 =	vmul.f32 v11, v21;
	(erf) = vrcp.f32 v5  }
0x60: {  	v16 =	vsub.f32 v0, v16;
	v7 =	vsel vm0, $0x0, v7;
	v8 =	vld.idx.msk [tilespmem:v14+s12+$0x0], $0xffff;
	v12 =	vmul.f32 v56, v12  }
0x61: {  	v61 =	vld.idx.msk [tilespmem:v13+s16+$0x0], $0xffff;
	v15 =	vmul.f32 v7, v15;
	v7 =	vsub.f32 v1, v24;
	v57 =	vpop (erf);
	vm12 =	vclass.f32 v11, $0x102  }
0x62: {  	v5 =	vld.idx.msk [tilespmem:v13+s12+$0x0], $0xffff;
	v27 =	vpop (erf);
	v24 =	vmul.f32 v57, v17;
	v11 =	vsel vm12, $0x0, v11;
	v18 =	vmul.f32 v18, v12  }
0x63: {  	v60 =	vld.idx.msk [tilespmem:v4+s14+$0x0], $0xffff;
	v20 =	vsub.f32 v20, v10;
	v7 =	vmul.f32 v27, v7;
	v59 =	vpop (erf);
	v21 =	vmul.f32 v11, v21  }
0x64: {  	v11 =	vld.idx.msk [tilespmem:v4+s12+$0x0], $0xffff;
	vm13 =	vclass.f32 v24, $0x102;
	v27 =	vmul.f32 v59, v9;
	v18 =	vadd.f32 v18, v6  }
0x65: {  	v29 =	vpop (erf);
	v12 =	vld.idx.msk [tilespmem:v3+s12+$0x0], $0xffff;
	v24 =	vsel vm13, $0x0, v24;
	v7 =	vmul.f32 v19, v7;
	v19 =	vsub.f32 v58, v8  }
0x66: {  	s22 =	simm.s32 $0x13920;
	v16 =	vmul.f32 v29, v16;
	v24 =	vmul.f32 v24, v17;
	v17 =	vld.idx.msk [tilespmem:v3+s14+$0x0], $0xffff;
	vm14 =	vclass.f32 v27, $0x102  }
0x67: {  	[tilespmem:s22+$0x10] =	vst v15;
	v15 =	vld.idx.msk [tilespmem:v14+s15+$0x0], $0xffff;
	v62 =	vsub.f32 v28, v5;
	(erf) = vrcp.f32 v19;
	v19 =	vsel vm14, $0x0, v27  }
0x68: {  	s23 =	simm.s32 $0xA0;
	v6 =	vld.idx.msk [tilespmem:v13+s15+$0x0], $0xffff;
	v16 =	vmul.f32 v20, v16;
	v63 =	vadd.f32 v7, v54;
	(erf) = vrcp.f32 v18;
	v18 =	vpop (erf)  }
0x69: {  	v13 =	vld [tilespmem:s23+$0x10];
	v23 =	vsub.f32 v60, v11;
	(erf) = vrcp.f32 v62;
	v18 =	vmul.f32 v18, v55  }
0x6a: {  	v7 =	vld.idx.msk [tilespmem:v4+s15+$0x0], $0xffff;
	v19 =	vmul.f32 v19, v9;
	v10 =	vadd.f32 v16, v10;
	(erf) = vrcp.f32 v63  }
0x6b: {  	[tilespmem:s22+$0xFFFFFFE0] =	vst v21;
	v9 =	vld [tilespmem:s23+$0xFFFFFFF0];
	v16 =	vsub.f32 v17, v12;
	(erf) = vrcp.f32 v23;
	vm15 =	vclass.f32 v18, $0x102  }
0x6c: {  	[tilespmem:s22+$0xFFFFFFF0] =	vst v24;
	v17 =	vld.idx.msk [tilespmem:v14+s16+$0x0], $0xffff;
	(erf) = vrcp.f32 v10;
	v18 =	vsel vm15, $0x0, v18  }
0x6d: {  	s24 =	simm.s32 $0x80;
	s25 =	simm.s32 $0x9D60;
	[tilespmem:s22+$0x0] =	vst v19;
	v14 =	vsub.f32 v61, v6;
	v10 =	vld [tilespmem:s23+$0x0];
	(erf) = vrcp.f32 v16;
	v16 =	vmul.f32 v18, v55  }
.LBB2_3:
0x6e: {  	v18 =	vld [tilespmem:s25+$0x10];
	s22 =	sadd.s32 $0x40, s22;
	v19 =	vmov v13  }
0x6f: {  	s24 =	sadd.s32 $0x40, s24;
	v13 =	vld [tilespmem:s25+$0xFFFFFFE0];
	v8 =	vsub.f32 v19, v8;
	[tilespmem:s22+$0x10] =	vst v16  }
0x70: {  	p0 =	slt.u32 s24, $0x9C00;
	v16 =	vld [tilespmem:s25+$0xFFFFFFF0];
	v20 =	vpop (erf)  }
0x71: {  	v17 =	vsub.f32 v17, v15;
	v21 =	vld [tilespmem:s25+$0x0];
	v11 =	vsub.f32 v9, v11;
	v26 =	vmul.f32 v20, v8;
	v20 =	vpop (erf)  }
0x72: {  	v22 =	vld [tilespmem:s23+$0xFFFFFFE0];
	v12 =	vsub.f32 v10, v12;
	v23 =	vpop (erf);
	v20 =	vmul.f32 v20, v2  }
0x73: {  	v24 =	vld.idx.msk [tilespmem:v4+s16+$0x0], $0xffff;
	v4 =	vmul.f32 v17, v26;
	v8 =	vpop (erf)  }
0x74: {  	v17 =	vld.idx.msk [tilespmem:v3+s15+$0x0], $0xffff;
	v25 =	vpop (erf);
	vm0 =	vclass.f32 v20, $0x102;
	v26 =	vmul.f32 v8, v1  }
0x75: {  	v25 =	vmul.f32 v25, v11;
	v27 =	vld.idx.msk [tilespmem:v3+s16+$0x0], $0xffff;
	v30 =	vadd.f32 v4, v15;
	v29 =	vsel vm0, $0x0, v20;
	v11 =	vpop (erf)  }
0x76: {  	v8 =	vld.idx.msk [tilespmem:v18+s12+$0x0], $0xffff;
	v15 =	vpop (erf);
	v29 =	vmul.f32 v29, v2;
	vm0 =	vclass.f32 v26, $0x102;
	v11 =	vmul.f32 v11, v0  }
0x77: {  	v20 =	vld.idx.msk [tilespmem:v18+s14+$0x0], $0xffff;
	v28 =	vsub.f32 v22, v5;
	v15 =	vmul.f32 v15, v12;
	(erf) = vrcp.f32 v30;
	v4 =	vmovc v16  }
0x78: {  	v3 =	vmovc v21;
	v12 =	vsel vm0, $0x0, v26;
	v2 =	vmov v22;
	v5 =	vld.idx.msk [tilespmem:v13+s12+$0x0], $0xffff;
	[tilespmem:s22+$0xFFFFFFE0] =	vst v29;
	vm0 =	vclass.f32 v11, $0x102  }
0x79: {  	v24 =	vsub.f32 v24, v7;
	v22 =	vld.idx.msk [tilespmem:v13+s14+$0x0], $0xffff;
	v23 =	vmul.f32 v23, v28;
	v26 =	vsel vm0, $0x0, v11  }
0x7a: {  	v28 =	vmul.f32 v12, v1;
	v1 =	vmovc v9;
	v11 =	vld.idx.msk [tilespmem:v16+s12+$0x0], $0xffff;
	v26 =	vmul.f32 v26, v0;
	v0 =	vmov v10  }
0x7b: {  	v9 =	vld.idx.msk [tilespmem:v16+s14+$0x0], $0xffff;
	v10 =	vmul.f32 v14, v23;
	v14 =	vmul.f32 v24, v25;
	v16 =	vsub.f32 v27, v17  }
0x7c: {  	v12 =	vld.idx.msk [tilespmem:v21+s12+$0x0], $0xffff;
	[tilespmem:s22+$0xFFFFFFF0] =	vst v28  }
0x7d: {  	v20 =	vsub.f32 v20, v8;
	v21 =	vld.idx.msk [tilespmem:v21+s14+$0x0], $0xffff;
	v23 =	vadd.f32 v10, v6;
	v15 =	vmul.f32 v16, v15  }
0x7e: {  	v14 =	vadd.f32 v14, v7;
	v6 =	vld.idx.msk [tilespmem:v13+s15+$0x0], $0xffff;
	[tilespmem:s22+$0x0] =	vst v26  }
0x7f: {  	v22 =	vsub.f32 v22, v5;
	v16 =	vld.idx.msk [tilespmem:v13+s16+$0x0], $0xffff;
	(erf) = vrcp.f32 v20;
	v20 =	vadd.f32 v15, v17  }
0x80: {  	s23 =	sadd.s32 $0x40, s23;
	v7 =	vld.idx.msk [tilespmem:v4+s15+$0x0], $0xffff;
	(erf) = vrcp.f32 v23;
	v10 =	vpop (erf)  }
.Ltmp0:
0x81: {  	v9 =	vsub.f32 v9, v11;
	v13 =	vld [tilespmem:s23+$0x10];
	(erf) = vrcp.f32 v22;
	v10 =	vmul.f32 v10, v19;
	(pc) =	sbr.rel @p0 .LBB2_3-.Ltmp0, $4  }
0x82: {  	v15 =	vld.idx.msk [tilespmem:v18+s15+$0x0], $0xffff;
	(erf) = vrcp.f32 v14  }
0x83: {  	v21 =	vsub.f32 v21, v12;
	v17 =	vld.idx.msk [tilespmem:v18+s16+$0x0], $0xffff;
	(erf) = vrcp.f32 v9;
	vm0 =	vclass.f32 v10, $0x102  }
0x84: {  	v9 =	vld [tilespmem:s23+$0xFFFFFFF0];
	v18 =	vsel vm0, $0x0, v10;
	(erf) = vrcp.f32 v20  }
0x85: {  	s25 =	sadd.s32 $0x40, s25;
	v14 =	vsub.f32 v16, v6;
	v10 =	vld [tilespmem:s23+$0x0];
	(erf) = vrcp.f32 v21;
	v16 =	vmul.f32 v18, v19  }
0x86: {  	_ =	sdelay $0x1  }
0x87: {  	v18 =	vld [tilespmem:s23+$0xFFFFFFE0];
	_ =	sdelay $0x1  }
0x88: {  	v4 =	vld.idx.msk [tilespmem:v4+s16+$0x0], $0xffff;
	v19 =	vpop (erf)  }
0x89: {  	v21 =	vld.idx.msk [tilespmem:v3+s15+$0x0], $0xffff;
	v20 =	vpop (erf)  }
0x8a: {  	v8 =	vsub.f32 v13, v8;
	v40 =	vld.idx.msk [tilespmem:v3+s16+$0x0], $0xffff;
	v22 =	vpop (erf)  }
0x8b: {  	v23 =	vpop (erf);
	v5 =	vsub.f32 v18, v5  }
0x8c: {  	v17 =	vsub.f32 v17, v15;
	v11 =	vsub.f32 v9, v11;
	v8 =	vmul.f32 v19, v8;
	v41 =	vpop (erf)  }
0x8d: {  	v12 =	vsub.f32 v10, v12;
	v5 =	vmul.f32 v22, v5;
	v42 =	vpop (erf)  }
0x8e: {  	v8 =	vmul.f32 v17, v8;
	v4 =	vsub.f32 v4, v7;
	v11 =	vmul.f32 v41, v11;
	v43 =	vpop (erf)  }
0x8f: {  	v3 =	vsub.f32 v40, v21;
	v12 =	vmul.f32 v43, v12;
	v5 =	vmul.f32 v14, v5  }
0x90: {  	v8 =	vadd.f32 v8, v15;
	v4 =	vmul.f32 v4, v11  }
0x91: {  	v5 =	vadd.f32 v5, v6;
	v3 =	vmul.f32 v3, v12  }
0x92: {  	(erf) = vrcp.f32 v8;
	v4 =	vadd.f32 v4, v7  }
0x93: {  	v3 =	vadd.f32 v3, v21;
	(erf) = vrcp.f32 v5  }
0x94: {  	(erf) = vrcp.f32 v4  }
0x95: {  	(erf) = vrcp.f32 v3;
	_ =	sdelay $0x2  }
0x96: {  	v44 =	vmul.f32 v20, v2  }
0x97: {  	v45 =	vmul.f32 v23, v1;
	v46 =	vmul.f32 v42, v0  }
0x98: {  	vm0 =	vclass.f32 v44, $0x102  }
0x99: {  	vm10 =	vclass.f32 v45, $0x102;
	vm11 =	vclass.f32 v46, $0x102;
	v3 =	vsel vm0, $0x0, v44;
	v48 =	vpop (erf)  }
0x9a: {  	v5 =	vsel vm11, $0x0, v46;
	v47 =	vmul.f32 v3, v2;
	v3 =	vmul.f32 v48, v13;
	v49 =	vpop (erf)  }
0x9b: {  	s22 =	sadd.s32 $0x40, s22;
	v4 =	vsel vm10, $0x0, v45;
	v53 =	vmul.f32 v5, v0;
	v51 =	vmul.f32 v49, v18;
	v52 =	vpop (erf)  }
0x9c: {  	[tilespmem:s22+$0x10] =	vst v16;
	v50 =	vmul.f32 v4, v1;
	vm12 =	vclass.f32 v3, $0x102;
	v54 =	vmul.f32 v52, v9;
	v55 =	vpop (erf)  }
0x9d: {  	[tilespmem:s22+$0x0] =	vst v53;
	v56 =	vsel vm12, $0x0, v3;
	vm13 =	vclass.f32 v51, $0x102;
	v57 =	vmul.f32 v55, v10  }
0x9e: {  	[tilespmem:s22+$0xFFFFFFF0] =	vst v50;
	v58 =	vmul.f32 v56, v13;
	v59 =	vsel vm13, $0x0, v51;
	vm14 =	vclass.f32 v54, $0x102  }
0x9f: {  	[tilespmem:s22+$0xFFFFFFE0] =	vst v47;
	s22 =	sadd.s32 $0x40, s22;
	v60 =	vmul.f32 v59, v18;
	v61 =	vsel vm14, $0x0, v54;
	vm15 =	vclass.f32 v57, $0x102  }
0xa0: {  	[tilespmem:s22+$0x10] =	vst v58;
	v62 =	vsel vm15, $0x0, v57;
	v2 =	vmul.f32 v61, v9  }
0xa1: {  	s20 =	sadd.s32 $0x1, s20;
	[tilespmem:s22+$0xFFFFFFE0] =	vst v60;
	v63 =	vmul.f32 v62, v10  }
0xa2: {  	p0 =	sne.s32 s20, $0x5;
	[tilespmem:s22+$0xFFFFFFF0] =	vst v2  }
.Ltmp1:
0xa3: {  	s21 =	sadd.s32 s4, s21;
	[tilespmem:s22+$0x0] =	vst v63;
	(pc) =	sbr.rel @p0 .LBB2_2-.Ltmp1, $4  }
0xa4: {  	[hbm4b:s21+s6] =	stream.linear.scatter [tilespmem:s18], [sflag:$0x1], $0x9C40, $0x38;
	[tilespmem:$0x1D780] =	vst v63  }
0xa5: {  	_ =	swait.ge [sflag:s13], $0x9C40  }
0xa6: {  	[sflag:s13] =	ssyncset.done $0x0  }
0xa7: {  	[sflag:s13] =	ssyncadd.s32 $0xFFFF63C0  }
0xa8: {  	s19 =	sadd.s32 $0x1, s19  }
0xa9: {  	p0 =	sne.s32 s19, s11  }
.Ltmp2:
0xaa: {  	_ = 	snop;
	(pc) =	sbr.rel @p0 .LBB2_1-.Ltmp2, $1  }
0xab: {  	_ =	sdelay $0x3  }
0xac: {  	_ =	sfence.sel $0x180000  }
0xad: {  	[bflag:$0x0] =	sbarrier.arrive $0xFFFF  }
0xae: {  	p0 =	sne.s32 s5, $0x0;
	_ =	strace $0x9000004D  }
0xaf: {  	s0 =	sadd.s32 @!p0 $0x100000, s0;
	[bflag:$0x2] =	sbarrier.arrive $0xFFFF  }
0xb0: {  	[sflag:s0] =	ssyncadd.tile.s32 @!p0 $0x1;
	_ =	shalt  }
.Lfunc_end2:
_tile_overlayer_lowered:
.L_overlay_start_2:
0xb1: {  	(tag) =	ssettag $0x2  }
0xb2: {  	s0 =	rddreg [dreg:$0x0];
	s2 =	stileid.u32  }
0xb3: {  	s1 =	rddreg [dreg:$0x1];
	p0 =	sne.s32 s2, $0x0  }
0xb4: {  	s3 =	rddreg [dreg:$0x2];
	[bflag:$0x3] =	sbarrier.arrive $0xFFFF;
	s2 =	simm.s32 @!p0 $0x1C01  }
0xb5: {  	[timem:s3], [sflag:s2] =	dma.local @!p0 [hbm:s0], s1  }
0xb6: {  	s0 =	simm.s32 @!p0 $0x1  }
0xb7: {  	_ =	swait.ge @!p0 [sflag:s0], s1  }
0xb8: {  	s1 =	ssub.s32 @!p0 $0x0, s1;
	[sflag:s0] =	ssyncset.done @!p0 $0x0  }
0xb9: {  	[sflag:s0] =	ssyncadd.s32 @!p0 s1  }
0xba: {  	[bflag:$0x3] =	sbarrier.arrive $0xFFFF  }
0xbb: {  	_ =	shalt  }

// kernel: scatter_offload_async_start
scs
__scs_entry_jumppad:
0x0: {  	(pc) =	sbr.rel $0x88, $3  }
0x1: {  	(tag) =	ssettag $0x0;
	lr =	simm.s32 $0x1  }
0x2: {  	[smem:$0x3F9F] =	sst lr;
	_ =	strace $0xD0000000  }
0x3: {  	_ = 	snop  }
0x4: {  	_ = 	snop  }
0x5: {  	_ = 	snop  }
0x6: {  	_ = 	snop  }
0x7: {  	_ = 	snop  }
__scs_overlays_trampoline_lowered:
0x8: {  	[smem:$0x3FAE] =	sst s0  }
0x9: {  	[smem:$0x3FAF] =	sst s1  }
0xa: {  	[smem:$0x3FB0] =	sst s2  }
0xb: {  	[smem:$0x3FB1] =	sst s3  }
0xc: {  	[smem:$0x3FB2] =	sst s4  }
0xd: {  	[smem:$0x3FB3] =	sst s5  }
0xe: {  	[smem:$0x3FB4] =	sst s6  }
0xf: {  	[smem:$0x3FB5] =	sst s7  }
0x10: {  	[smem:$0x3FB6] =	sst s8  }
0x11: {  	[smem:$0x3FB7] =	sst s9;
	s0 =	simm.s32 @!p0 $0x0  }
0x12: {  	s1 =	sld [smem:$0x3F9D];
	s0 =	simm.s32 @p0 $0x1  }
0x13: {  	[smem:$0x3FB8] =	sst s0;
	s0 =	simm.s32 @!p1 $0x0  }
0x14: {  	s2 =	sld [smem:$0x3F9C];
	s0 =	simm.s32 @p1 $0x1  }
0x15: {  	[smem:$0x3FB9] =	sst s0;
	s0 =	simm.s32 @!p2 $0x0  }
0x16: {  	s3 =	sld [smem:$0x3FDB];
	s0 =	simm.s32 @p2 $0x1  }
0x17: {  	s4 =	simm.s32 $0x1BF5;
	[smem:$0x3FBB] =	sst s0  }
0x18: {  	s0 =	sld [smem:$0x3F9E];
	_ =	swait.ge [sflag:s4], $0x0  }
0x19: {  	s7 =	sld [smem:$0x3F9F]  }
0x1a: {  	s8 =	sadd.s32 $0xFFFFE003, lr  }
0x1b: {  	s9 =	sadd.s32 $0xFFFFFEF7, lr;
	s5 =	simm.s32 $0xFFFFFFFF;
	p2 =	slt.u32 s8, $0xFFFFF086  }
0x1c: {  	p1 =	slt.u32 s9, $0xF7A;
	s5 =	simm.s32 @!p2 $0x0  }
0x1d: {  	s5 =	simm.s32 @p1 $0x1;
	p0 =	seq.s32 s7, s2  }
0x1e: {  	s7 =	smul.u32 @!p0 $0xF7A, s2;
	p2 =	seq.s32 @!p0 s5, $0x0  }
0x1f: {  	s9 =	smul.u32 $0xF7A, s1;
	s8 =	simm.s32 @!p0 $0x1BF5;
	p2 =	por !p2, p0  }
0x20: {  	[sflag:s8] =	ssyncset.s32 @!p0 $0xFFFFF086;
	s6 =	sadd.s32 @!p0 s3, s7;
	s7 =	simm.s32 @!p0 $0x108  }
0x21: {  	s3 =	sadd.s32 s3, s9;
	s6 =	sadd.s32 @!p0 $0x88, s6;
	s7 =	simm.s32 @p2 $0x1082  }
0x22: {  	[simem:s7], [sflag:s8] =	dma.local @!p0 [hbm:s6], $0xF7A  }
0x23: {  	s9 =	sor.u32 $0xD0000000, s2;
	s6 =	simm.s32 $0x108;
	_ =	swait.ge @!p0 [sflag:s8], $0x0  }
0x24: {  	s3 =	sadd.s32 $0x88, s3;
	s6 =	simm.s32 @!p1 $0x1082;
	[sflag:s4] =	ssyncset.s32 $0xFFFFF086  }
0x25: {  	[simem:s6], [sflag:s4] =	dma.local [hbm:s3], $0xF7A  }
0x26: {  	[smem:$0x3F9F] =	sst s1;
	(tag) =	ssettag s2;
	_ =	strace s9  }
0x27: {  	s1 =	sld [smem:$0x3FAF]  }
0x28: {  	s2 =	sld [smem:$0x3FB0]  }
0x29: {  	s4 =	sld [smem:$0x3FB2]  }
0x2a: {  	p0 =	seq.s32 s5, $0x0;
	s5 =	sld [smem:$0x3FB3]  }
0x2b: {  	s6 =	sld [smem:$0x3FB4]  }
0x2c: {  	s7 =	sld [smem:$0x3FB5]  }
0x2d: {  	s3 =	simm.s32 $0x108;
	s8 =	sld [smem:$0x3FB6]  }
0x2e: {  	s3 =	simm.s32 @!p0 $0x1082;
	s9 =	sld [smem:$0x3FB7]  }
0x2f: {  	lr =	sadd.s32 s0, s3;
	s0 =	sld [smem:$0x3FAE]  }
0x30: {  	s3 =	sld [smem:$0x3FB1]  }
0x31: {  	[smem:$0x3FBA] =	sst s10  }
0x32: {  	s10 =	sld [smem:$0x3FB8];
	_ =	sdelay $0x3  }
0x33: {  	p0 =	seq.s32 s10, $0x1;
	s10 =	sld [smem:$0x3FBA];
	_ =	sdelay $0x3  }
0x34: {  	[smem:$0x3FBA] =	sst s10  }
0x35: {  	s10 =	sld [smem:$0x3FB9];
	_ =	sdelay $0x3  }
0x36: {  	p1 =	seq.s32 s10, $0x1;
	s10 =	sld [smem:$0x3FBA];
	_ =	sdelay $0x3  }
0x37: {  	[smem:$0x3FBA] =	sst s10  }
0x38: {  	s10 =	sld [smem:$0x3FBB]  }
0x39: {  	_ = 	snop;
	(pc) =	sbr.ind lr, $3  }
0x3a: {  	_ = 	snop  }
0x3b: {  	_ = 	snop  }
0x3c: {  	p2 =	seq.s32 s10, $0x1;
	s10 =	sld [smem:$0x3FBA]  }
0x3d: {  	_ =	shalt  }
0x3e: {  	_ =	shalt  }
0x3f: {  	_ =	shalt  }
0x40: {  	_ =	shalt  }
0x41: {  	_ =	shalt  }
0x42: {  	_ =	shalt  }
0x43: {  	_ =	shalt  }
0x44: {  	_ =	shalt  }
0x45: {  	_ =	shalt  }
0x46: {  	_ =	shalt  }
0x47: {  	_ =	shalt  }
0x48: {  	_ =	shalt  }
0x49: {  	_ =	shalt  }
0x4a: {  	_ =	shalt  }
0x4b: {  	_ =	shalt  }
0x4c: {  	_ =	shalt  }
0x4d: {  	_ =	shalt  }
0x4e: {  	_ =	shalt  }
0x4f: {  	_ =	shalt  }
0x50: {  	_ =	shalt  }
0x51: {  	_ =	shalt  }
0x52: {  	_ =	shalt  }
0x53: {  	_ =	shalt  }
0x54: {  	_ =	shalt  }
0x55: {  	_ =	shalt  }
0x56: {  	_ =	shalt  }
0x57: {  	_ =	shalt  }
0x58: {  	_ =	shalt  }
0x59: {  	_ =	shalt  }
0x5a: {  	_ =	shalt  }
0x5b: {  	_ =	shalt  }
0x5c: {  	_ =	shalt  }
0x5d: {  	_ =	shalt  }
0x5e: {  	_ =	shalt  }
0x5f: {  	_ =	shalt  }
0x60: {  	_ =	shalt  }
0x61: {  	_ =	shalt  }
0x62: {  	_ =	shalt  }
0x63: {  	_ =	shalt  }
0x64: {  	_ =	shalt  }
0x65: {  	_ =	shalt  }
0x66: {  	_ =	shalt  }
0x67: {  	_ =	shalt  }
0x68: {  	_ =	shalt  }
0x69: {  	_ =	shalt  }
0x6a: {  	_ =	shalt  }
0x6b: {  	_ =	shalt  }
0x6c: {  	_ =	shalt  }
0x6d: {  	_ =	shalt  }
0x6e: {  	_ =	shalt  }
0x6f: {  	_ =	shalt  }
0x70: {  	_ =	shalt  }
0x71: {  	_ =	shalt  }
0x72: {  	_ =	shalt  }
0x73: {  	_ =	shalt  }
0x74: {  	_ =	shalt  }
0x75: {  	_ =	shalt  }
0x76: {  	_ =	shalt  }
0x77: {  	_ =	shalt  }
0x78: {  	_ =	shalt  }
0x79: {  	_ =	shalt  }
0x7a: {  	_ =	shalt  }
0x7b: {  	_ =	shalt  }
0x7c: {  	_ =	shalt  }
0x7d: {  	_ =	shalt  }
0x7e: {  	_ =	shalt  }
0x7f: {  	_ =	shalt  }
0x80: {  	_ =	shalt  }
0x81: {  	_ =	shalt  }
0x82: {  	_ =	shalt  }
0x83: {  	_ =	shalt  }
0x84: {  	_ =	shalt  }
0x85: {  	_ =	shalt  }
0x86: {  	_ =	shalt  }
0x87: {  	_ =	shalt  }
.Lfunc_end0:
.L_simem_size_0:
called_computation_lowered:
.L_overlay_start_0:
0x88: {  	s0 =	sld [smem:$0x3FD9]  }
0x89: {  	s1 =	sld [smem:$0x3FFE];
	_ =	sdelay $0x3  }
0x8a: {  	s0 =	sadd.s32 s1, s0  }
0x8b: {  	[smem:$0x3FC6] =	sst s0  }
0x8c: {  	_ = 	snop  }
0x8d: {  	s0 =	sld [smem:$0x3FD0];
	(tm) =	ssettm $0x1  }
0x8e: {  	s16 =	sld [smem:$0x3FFB];
	_ =	sdelay $0x3  }
0x8f: {  	_ =	strace s16  }
0x90: {  	s1 =	sld [smem:$0x3FFC];
	_ =	sdelay $0x3  }
0x91: {  	_ =	strace s1  }
0x92: {  	s1 =	sld [smem:$0x3FFD];
	_ =	sdelay $0x3  }
0x93: {  	_ =	strace s1  }
0x94: {  	_ =	strace $0x8FFFFFFF  }
0x95: {  	s17 =	sld [smem:$0x3FDB];
	_ =	sdelay $0x1  }
0x96: {  	s2 =	simm.s32 $_scs_section_size  }
0x97: {  	s3 =	simm.s32 $_size__tile_overlayer_lowered;
	s4 =	simm.s32 $_tile_overlayer_lowered  }
0x98: {  	s20 =	simm.s32 $0x1BFF;
	s19 =	sshll.u32 s4, $0x1;
	s1 =	sadd.s32 s2, s17  }
0x99: {  	s5 =	simm.s32 $0x0;
	s18 =	sshll.u32 s3, $0x1;
	s3 =	sadd.s32 s19, s1  }
0x9a: {  	[timem:s5], [sflag:s20] =	dma.local [hbm:s3], s18  }
0x9b: {  	_ =	swait.ge [sflag:s20], s18  }
0x9c: {  	s2 =	ssub.s32 $0x0, s18;
	[sflag:s20] =	ssyncset.done $0x0  }
0x9d: {  	[sflag:s20] =	ssyncadd.s32 s2;
	_ =	sdelay $0x1  }
0x9e: {  	s21 =	simm.s32 $0x1B8B  }
0x9f: {  	_ =	swait.ge [sflag:s21], $0x1  }
0xa0: {  	[sflag:s21] =	ssyncset.done $0x0  }
0xa1: {  	s23 =	simm.s32 $0x1B8E;
	s22 =	sld [smem:$0x3FFE];
	[sflag:s21] =	ssyncadd.s32 $0xFFFFFFFF  }
0xa2: {  	s24 =	simm.s32 $execute0_lowered;
	[smem:$0x3FD2] =	sst s23  }
0xa3: {  	s3 =	sshll.u32 s24, $0x1;
	_ =	strace $0x80000049;
	[dreg:$0x1] =	wrdreg $0xFFFFFFFF  }
0xa4: {  	s25 =	simm.s32 $_size_execute0_lowered;
	s1 =	sadd.s32 s1, s3;
	[dreg:$0x0] =	wrdreg $0x0  }
0xa5: {  	s3 =	sshll.u32 s25, $0x1;
	[dreg:$0x2] =	wrdreg s1  }
0xa6: {  	[dreg:$0x3] =	wrdreg s3  }
0xa7: {  	[dreg:$0x4] =	wrdreg $0xC0  }
0xa8: {  	_ =	task [dreg:s5], $0x5FFFF  }
0xa9: {  	[dreg:$0x1] =	wrdreg $0xFFFFFFFF  }
0xaa: {  	[dreg:$0x0] =	wrdreg $0x60  }
0xab: {  	[dreg:$0x2] =	wrdreg s22  }
0xac: {  	[dreg:$0x3] =	wrdreg s0  }
0xad: {  	[dreg:$0x4] =	wrdreg $0x9  }
0xae: {  	_ =	task.clear_ibuf [dreg:s5], $0x5FFFF;
	_ =	strace $0x90000049  }
0xaf: {  	s26 =	simm.s32 $0x9;
	_ =	strace $0x8000004B  }
0xb0: {  	_ =	swait.ge [sflag:s26], $0x1  }
0xb1: {  	[sflag:s26] =	ssyncadd.s32 $0xFFFFFFFF  }
0xb2: {  	_ =	strace $0x9000004B  }
0xb3: {  	_ =	sfence  }
0xb4: {  	s28 =	sld [smem:$0x0];
	_ =	sdelay $0x1  }
0xb5: {  	s29 =	srdreg.scid  }
0xb6: {  	s30 =	sshll.u32 s29, $0xD;
	s31 =	sshrl.u32 s29, $0x2  }
0xb7: {  	s2 =	sand.u32 $0x4000, s30;
	s1 =	sand.u32 $0x1, s29;
	s0 =	sadd.s32 s31, s28  }
0xb8: {  	s1 =	sor.u32 s2, s1;
	s0 =	sshll.u32 s0, $0x11  }
0xb9: {  	s0 =	sor.u32 s0, s1  }
0xba: {  	s0 =	sadd.s32 $0x8F2B, s0  }
0xbb: {  	[sflag:s0] =	ssyncadd.remote.s32 $0x1  }
0xbc: {  	_ =	sfence.sel $0xFFFF  }
0xbd: {  	[dreg:$0x0] =	wrdreg $0xFFFFFFFF;
	(pc) =	sbr.abs _section_cstart, $3  }
0xbe: {  	[dreg:$0x1] =	wrdreg $0xFFFFFFFF  }
0xbf: {  	_ =	task.clear_ibuf [dreg:s5], $0x2FFFF;
	_ =	strace $0x9FFFFFFF  }
0xc0: {  	(tm) =	ssettm $0x7FFFFFFF  }
0xc1: {  	_ =	shalt  }
tec
execute0_lowered:
.L_overlay_start_1:
0x0: {  	(tag) =	ssettag $0x1  }
0x1: {  	s7 =	rddreg [dreg:$0x0]  }
0x2: {  	s2 =	rddreg [dreg:$0x1]  }
0x3: {  	s0 =	rddreg [dreg:$0x2];
	_ =	strace $0x8000004A;
	s1 =	simm.s32 $0x1  }
0x4: {  	v1 =	vimm.s32 $0xFFFFFFFF;
	[sflag:s1] =	ssyncpa.u1 $0x0  }
0x5: {  	[tilespmem:$0x10] =	vst v1  }
0x6: {  	v0 =	vimm.f32 $0.0e+00;
	[tilespmem:$0x20] =	vst v1  }
0x7: {  	[tilespmem:$0x30] =	vst v0  }
0x8: {  	[tilespmem:$0x40] =	vst v0  }
0x9: {  	[tilespmem:$0x50] =	vst v0  }
0xa: {  	s3 =	simm.s32 $0x2;
	[tilespmem:$0x60] =	vst v1  }
0xb: {  	s4 =	simm.s32 $0x7;
	s6 =	simm.s32 $0x8;
	s9 =	simm.s32 $0x9;
	[tilespmem:$0x70] =	vst v1  }
0xc: {  	s13 =	simm.s32 $0x0;
	s14 =	simm.s32 $0xFF;
	p0 =	por $0x0, $0x0;
	[tilespmem:$0x80] =	vst v1  }
0xd: {  	s15 =	simm.s32 $0xFFFFC280;
	s16 =	simm.s32 $0xFFFFFFFE;
	s17 =	simm.s32 $0xF;
	v1 =	vimm.s32 $0x0;
	[tilespmem:$0xB0] =	vst v0  }
0xe: {  	s18 =	simm.s32 $0x30;
	s21 =	simm.s32 $0x0;
	s19 =	simm.s32 $0x0;
	[tilespmem:$0x90] =	vst v1  }
.Ltmp0:
0xf: {  	[tilespmem:$0xA0] =	vst v1;
	[sflag:s3] =	ssyncpa.u1 $0x0;
	s3 =	stileid.u32;
	(pc) =	sbr.rel .LBB2_1-.Ltmp0, $4  }
0x10: {  	s1 =	sadd.s32 $0x400, s7;
	s5 =	smul.u32 $0x61A80, s3;
	[sflag:s4] =	ssyncpa.u1 $0x0  }
0x11: {  	s7 =	sadd.s32 $0x3000, s7;
	s11 =	sshllo.u32 s3, $0x1;
	[sflag:s6] =	ssyncpa.u1 $0x0  }
0x12: {  	vm0 =	vmmov $0xffff;
	v2 =	vlaneseq.u32;
	s8 =	sadd.s32 $0x61A80, s5;
	[sflag:s9] =	ssyncpa.u1 $0x0;
	s9 =	sshll.u32 s3, $0x1  }
0x13: {  	vm1 =	vmxor vm1, vm1;
	vm2 =	vmmov $0x1;
	vm3 =	vcmask $0x3F3C;
	s20 =	smov.u32 s5;
	s10 =	sor.u32 $0x81, s9;
	s12 =	sor.u32 $0x80, s9  }
.LBB2_8:
0x14: {  	v3 =	vld [tilespmem:s24+$0xFAF0];
	_ =	sdelay $0x4  }
0x15: {  	v3 =	vshift.insert v3, v0, s17;
	_ =	sdelay $0x1  }
0x16: {  	[tilespmem:s18+$0x0] =	vst.msk $0x1, v3  }
0x17: {  	v3 =	vsel vm4, $0x1, v1;
	[tilespmem:$0x90] =	vst v6  }
0x18: {  	s24 =	sadd.s32 @!p1 $0xFAFF, s24;
	[tilespmem:$0xA0] =	vst v3  }
0x19: {  	[spmem:s11] =	stream.linear.scatter @!p1 [tilespmem:s24], [sflag:$0x1], $0x1, $0x38;
	[tilespmem:$0x11A60] =	vst v63  }
0x1a: {  	s24 =	simm.s32 @!p1 $0x1  }
0x1b: {  	v3 =	vmctz.xlane @!p1 vm4;
	_ =	swait.ge @!p1 [sflag:s24], $0x1  }
0x1c: {  	(v2sf) =	vpush @!p1 v4, $0x0  }
0x1d: {  	(v2sf) =	vpush @!p1 v3, $0x0;
	_ =	sdelay $0xd  }
0x1e: {  	s25 =	spop @!p1 (v2sf)  }
0x1f: {  	s26 =	spop @!p1 (v2sf)  }
0x20: {  	p2 =	sne.s32 @!p1 s23, s25;
	p3 =	slt.s32 @!p1 s26, $0xF  }
0x21: {  	[sflag:s24] =	ssyncset.done @!p1 $0x0;
	p2 =	por p2, p1;
	p3 =	por !p3, p1  }
0x22: {  	[sflag:s24] =	ssyncadd.s32 @!p1 $0xFFFFFFFF;
	v3 =	vimm.s32 @!p2 $0xFFFFFFFF;
	s26 =	simm.s32 @p3 $0xF  }
0x23: {  	[tilespmem:$0x80] =	vst @!p2 v3;
	s23 =	sadd.s32 @!p1 $0x90, s26  }
0x24: {  	[spmem:s9] =	stream.linear.scatter @!p1 [tilespmem:s23], [sflag:$0x1], $0x1, $0x38;
	[tilespmem:$0x11A60] =	vst v63  }
0x25: {  	_ =	swait.ge @!p1 [sflag:s24], $0x1  }
0x26: {  	[sflag:s24] =	ssyncset.done @!p1 $0x0  }
0x27: {  	s23 =	simm.s32 @!p1 $0x80;
	[sflag:s24] =	ssyncadd.s32 @!p1 $0xFFFFFFFF  }
0x28: {  	[spmem:s12] =	stream.linear.scatter @!p1 [tilespmem:s23], [sflag:$0x1], $0x1, $0x38;
	[tilespmem:$0x11A60] =	vst v63  }
0x29: {  	_ =	swait.ge @!p1 [sflag:s24], $0x1  }
0x2a: {  	[sflag:s24] =	ssyncset.done @!p1 $0x0  }
0x2b: {  	[sflag:s24] =	ssyncadd.s32 @!p1 $0xFFFFFFFF;
	(ifvalue) =	ssetifvalue $0xFFFFFFFF;
	v3 =	vld [tilespmem:s21+$0x10];
	_ =	sdelay $0x6  }
0x2c: {  	(ifvalue) =	ssetifvalue $0xFFFFFFFF  }
0x2d: {  	[hbm4b:s1+s13] =	stream.indirect_vreg.scatter [tilespmem:s22], [sflag:$0x9], $0x1, v3, vm0, $0x4038;
	[tilespmem:$0x11A60] =	vst v63  }
.LBB2_9:
0x2e: {  	p1 =	slt.u32 s19, $0x3  }
0x2f: {  	s21 =	simm.s32 @!p1 $0x2  }
0x30: {  	_ =	swait.ge @!p1 [sflag:s21], $0x1F40  }
0x31: {  	[sflag:s21] =	ssyncset.done @!p1 $0x0  }
0x32: {  	[sflag:s21] =	ssyncadd.s32 @!p1 $0xFFFFE0C0;
	s21 =	simm.s32 @!p1 $0x9  }
0x33: {  	_ =	swait.ge @!p1 [sflag:s21], $0x10  }
0x34: {  	s22 =	sadd.s32 $0x1F40, s20;
	s23 =	smov.u32 s5;
	[sflag:s21] =	ssyncset.done @!p1 $0x0  }
0x35: {  	s19 =	sadd.s32 $0x1, s19;
	[sflag:s21] =	ssyncadd.s32 @!p1 $0xFFFFFFF0;
	p1 =	slt.s32 s22, s8  }
0x36: {  	s23 =	smov.u32 @p1 s22;
	p1 =	sne.s32 s19, $0x35  }
.Ltmp1:
0x37: {  	_ = 	snop;
	(pc) =	sbr.rel @!p1 .LBB2_10-.Ltmp1, $3  }
0x38: {  	_ =	sdelay $0x1  }
0x39: {  	s14 =	sadd.s32 $0x1, s14;
	p0 =	por !p0, !p0;
	s15 =	sadd.s32 $0x1F40, s15  }
0x3a: {  	s16 =	sadd.s32 $0x1, s16;
	s21 =	smov.u32 s20;
	s20 =	smov.u32 s23  }
.LBB2_1:
0x3b: {  	p1 =	sgt.u32 s19, $0x31  }
0x3c: {  	s22 =	smul.u32 @!p1 $0xAB, s19;
	_ =	sdelay $0x1  }
0x3d: {  	s22 =	sshrl.u32 @!p1 s22, $0x9  }
0x3e: {  	s22 =	sand.u32 @!p1 $0x7F, s22  }
0x3f: {  	s22 =	smul.u32 @!p1 $0x3, s22;
	_ =	sdelay $0x1  }
0x40: {  	s22 =	ssub.s32 @!p1 s19, s22  }
0x41: {  	s22 =	sand.u32 @!p1 $0xFF, s22  }
0x42: {  	s22 =	smul.u32 @!p1 $0x7D00, s22;
	_ =	sdelay $0x1  }
0x43: {  	s23 =	sshrl.u32 @!p1 s20, $0x3;
	s22 =	sshrl.u32 @!p1 s22, $0x2  }
0x44: {  	s24 =	sand.u32 @!p1 $0x7, s20;
	s23 =	sadd.s32 @!p1 s2, s23;
	s22 =	sadd.s32 @!p1 $0x100, s22  }
0x45: {  	[tilespmem:s22], [sflag:$0x7] =	stream.linear.gather @!p1 [hbm4b:s23+s24], $0x1F40, $0x38;
	[tilespmem:$0x11A60] =	vst v63  }
0x46: {  	s22 =	sadd.s32 $0xFFFFFFFF, s19  }
0x47: {  	p1 =	sgt.u32 s22, $0x31  }
.Ltmp2:
0x48: {  	_ = 	snop;
	(pc) =	sbr.rel @p1 .LBB2_5-.Ltmp2, $1  }
0x49: {  	_ =	sdelay $0x3  }
0x4a: {  	s23 =	smul.u32 $0xAB, s22;
	_ =	sdelay $0x1  }
0x4b: {  	s23 =	sshrl.u32 s23, $0x9  }
0x4c: {  	s23 =	sand.u32 $0x7F, s23  }
0x4d: {  	s23 =	smul.u32 $0x3, s23;
	_ =	sdelay $0x1  }
0x4e: {  	s23 =	ssub.s32 s22, s23  }
0x4f: {  	s23 =	sand.u32 $0xFF, s23  }
0x50: {  	s23 =	smul.u32 $0x7D00, s23  }
0x51: {  	_ =	swait.ge [sflag:s4], $0x1F40  }
0x52: {  	[sflag:s4] =	ssyncset.done $0x0;
	s23 =	sshrl.u32 s23, $0x2  }
0x53: {  	[sflag:s4] =	ssyncadd.s32 $0xFFFFE0C0;
	(ifvalue) =	ssetifvalue $0xFFFFFFFF;
	v3 =	vld.msk [tilespmem:s23+$0x100 ss:$0x1], $0xffff  }
0x54: {  	s29 =	sand.u32 $0xFF, s14  }
0x55: {  	s24 =	smulhi.u32 $0x55555556, s29  }
0x56: {  	p1 =	sne.s32 s19, $0x1  }
0x57: {  	v4 =	vimm.s32 @!p1 $0x0;
	s24 =	smul.u32 $0x17700, s24  }
0x58: {  	s23 =	smul.u32 $0x7D00, s29;
	v4 =	vperm.xlane @!p1 v3, v4  }
0x59: {  	s25 =	sshll.u32 s19, $0x4;
	vm4 =	vlt.u32 v3, $0x80  }
0x5a: {  	s30 =	sand.u32 $0x10, s25;
	s23 =	ssub.s32 s23, s24;
	v3 =	vnsel vm4, $0xFFFFFFFE, v3;
	vm4 =	vlt.u32 @!p1 v4, $0x80  }
0x5b: {  	s23 =	sshra.s32 s23, $0x2;
	[tilespmem:s30+$0x60] =	vst v3;
	v3 =	vnsel @!p1 vm4, $0xFFFFFFFE, v4  }
0x5c: {  	s26 =	sadd.s32 $0x2030, s23;
	[tilespmem:$0x80] =	vst @!p1 v3  }
0x5d: {  	v3 =	vld.msk [tilespmem:s26+$0x0 ss:$0x1], $0xffff;
	_ =	sdelay $0x4  }
0x5e: {  	(xrf1) =	vunique.msk.u32 $0xffff, v3;
	_ =	sdelay $0xd  }
0x5f: {  	v4 =	vimm.s32 $0xFFFFFFFF;
	v5, _, _ =	vpop (xrf1)  }
0x60: {  	vm5 =	vne.s32 v3, v4;
	vm4 =	veq.s32 v5, v2  }
0x61: {  	vm6 =	vlt.u32 v3, $0x80;
	vm4 =	vmand vm5, vm4  }
0x62: {  	vm4 =	vmand vm6, vm4  }
0x63: {  	v4 =	vnsel vm4, $0xFFFFFFFF, v3  }
0x64: {  	s31 =	sand.u32 $0x1, s22  }
0x65: {  	s22 =	simm.s32 $0x1F40;
	p1 =	seq.s32 s31, $0x1  }
0x66: {  	s22 =	simm.s32 @!p1 $0x0  }
0x67: {  	s23 =	sadd.s32 $0x7DF0, s22;
	(ifvalue) =	ssetifvalue $0xFFFFFFFF  }
0x68: {  	v3 =	vperm.xlane v3, v1;
	[tilespmem:s23], [sflag:$0x8] =	stream.indirect_vreg.gather [hbm4b:s1+s13], $0x1, v4, vm0, $0x4038;
	v4 =	vnsel vm6, $0xFFFFFFFE, v4;
	[tilespmem:$0x11A60] =	vst v63  }
0x69: {  	s24 =	simm.s32 $0x0;
	s25 =	sadd.s32 $0xFFFFFFF0, s26;
	[tilespmem:s26+$0x0] =	vst v4  }
.LBB2_3:
0x6a: {  	v4 =	vld.msk [tilespmem:s25+$0x0 ss:$0x1], $0xffff;
	s24 =	sadd.s32 $0x10, s24;
	v5 =	vmov v3;
	s26 =	smov.u32 s25  }
0x6b: {  	p1 =	slt.u32 s24, $0x1F30;
	_ =	sdelay $0x4  }
0x6c: {  	v3 =	vperm.xlane v4, v1;
	(xrf1) =	vunique.msk.u32 $0xffff, v4;
	_ =	sdelay $0xd  }
0x6d: {  	v6, _, _ =	vpop (xrf1)  }
0x6e: {  	vm5 =	vne.s32 v4, v5;
	vm4 =	veq.s32 v6, v2  }
0x6f: {  	vm6 =	vlt.u32 v4, $0x80;
	vm4 =	vmand vm5, vm4  }
0x70: {  	vm4 =	vmand vm6, vm4  }
0x71: {  	v4 =	vnsel vm4, $0xFFFFFFFF, v4  }
.Ltmp3:
0x72: {  	v5 =	vnsel vm6, $0xFFFFFFFE, v4;
	(pc) =	sbr.rel @p1 .LBB2_3-.Ltmp3, $3  }
0x73: {  	_ =	sdelay $0x1  }
0x74: {  	s25 =	sadd.s32 $0xFFFFFFF0, s25;
	s23 =	sadd.s32 $0xFFFFFFF0, s23;
	(ifvalue) =	ssetifvalue $0xFFFFFFFF  }
0x75: {  	[tilespmem:s23], [sflag:$0x8] =	stream.indirect_vreg.gather [hbm4b:s1+s13], $0x1, v4, vm0, $0x4038;
	[tilespmem:s26+$0x0] =	vst v5  }
0x76: {  	s21 =	sshrl.u32 s21, $0x3  }
0x77: {  	s22 =	sadd.s32 $0x9D40, s22;
	s21 =	sadd.s32 s7, s21  }
0x78: {  	[tilespmem:s22], [sflag:$0x8] =	stream.linear.gather [hbm:s21], $0x1F40, $0x38;
	[tilespmem:$0x11A60] =	vst v63  }
.LBB2_5:
0x79: {  	p1 =	slt.u32 s19, $0x2  }
0x7a: {  	p2 =	seq.s32 @!p1 s19, $0x34  }
0x7b: {  	p1 =	por p1, p2  }
.Ltmp4:
0x7c: {  	_ = 	snop;
	(pc) =	sbr.rel @p1 .LBB2_9-.Ltmp4, $1  }
0x7d: {  	_ =	sdelay $0x3  }
0x7e: {  	s21 =	sadd.s32 $0xFFFFFFFE, s19  }
0x7f: {  	s22 =	smulhi.u32 $0xAAAAAAAB, s21;
	_ =	sdelay $0x1  }
0x80: {  	s22 =	sshrl.u32 s22, $0x1  }
0x81: {  	s22 =	smul.u32 $0x3, s22;
	_ =	sdelay $0x1  }
0x82: {  	s21 =	ssub.s32 s21, s22  }
0x83: {  	_ =	swait.ge [sflag:s6], $0x3E80;
	s25 =	smul.u32 $0x1F40, s21  }
0x84: {  	p1 =	sne.s32 s19, $0x33;
	[sflag:s6] =	ssyncset.done $0x0  }
0x85: {  	[sflag:s6] =	ssyncadd.s32 $0xFFFFC180;
	s21 =	sadd.s32 @!p1 $0x203F, s25  }
0x86: {  	[spmem:s10] =	stream.linear.scatter @!p1 [tilespmem:s21], [sflag:$0x1], $0x1, $0x38;
	[tilespmem:$0x11A60] =	vst v63  }
0x87: {  	s21 =	simm.s32 @!p1 $0x1  }
0x88: {  	_ =	swait.ge @!p1 [sflag:s21], $0x1  }
0x89: {  	s26 =	sshll.u32 s19, $0x4;
	[sflag:s21] =	ssyncset.done @!p1 $0x0  }
0x8a: {  	[sflag:s21] =	ssyncadd.s32 @!p1 $0xFFFFFFFF;
	s21 =	sand.u32 $0x10, s26  }
0x8b: {  	v4 =	vld [tilespmem:s21+$0x10];
	s26 =	sxor.u32 $0x10, s21  }
0x8c: {  	v5 =	vld [tilespmem:s26+$0x60]  }
0x8d: {  	v3 =	vld [tilespmem:$0x80];
	_ =	sdelay $0x2  }
0x8e: {  	(v2sf) =	vpush v4, $0x0  }
0x8f: {  	(v2sf) =	vpush v5, $0x0  }
0x90: {  	(v2sf) =	vpush v3, $0x0;
	_ =	sdelay $0xc  }
0x91: {  	s31 =	spop (v2sf)  }
0x92: {  	s24 =	spop (v2sf)  }
0x93: {  	s23 =	spop (v2sf)  }
0x94: {  	p2 =	seq.s32 s31, s24;
	p3 =	seq.s32 s23, s31  }
0x95: {  	p3 =	por p2, p3  }
0x96: {  	s31 =	sand.u32 $0x1, s19;
	v4 =	vpsel p3, $0xFFFFFFFF, v4  }
0x97: {  	s24 =	smul.u32 $0x1F40, s31;
	[tilespmem:s21+$0x10] =	vst.msk $0x1, v4  }
0x98: {  	v4 =	vld [tilespmem:$0x30]  }
0x99: {  	v5 =	vld [tilespmem:s24+$0x9D40]  }
0x9a: {  	v6 =	vld [tilespmem:s21+$0x40];
	_ =	sdelay $0x3  }
0x9b: {  	vm4 =	vmmov vm1;
	v5 =	vadd.f32 v5, v4  }
0x9c: {  	vm5 =	vmmov vm2;
	vm4 =	vmmov @p2 vm2;
	s22 =	sshll.u32 s31, $0x4;
	v4 =	vadd.f32 v6, v4  }
0x9d: {  	vm5 =	vmmov @p3 vm1;
	s22 =	sor.u32 $0x11A40, s22;
	[tilespmem:s24+$0x9D40] =	vst.msk vm4, v5  }
0x9e: {  	[tilespmem:s22+$0x0] =	vst.msk vm5, v4  }
0x9f: {  	v4 =	vld [tilespmem:s24+$0x7DF0];
	_ =	sdelay $0x3  }
0xa0: {  	v5 =	vimm.f32 $0.0e+00  }
0xa1: {  	v4 =	vshift.insert v4, v5, s17  }
0xa2: {  	s28 =	sor.u32 $0x40, s26  }
0xa3: {  	[tilespmem:s28+$0x0] =	vst.msk $0x1, v4  }
0xa4: {  	[tilespmem:s24+$0x7DFF] =	vst.msk $0x1, v5  }
0xa5: {  	v4 =	vld [tilespmem:s25+$0x2030];
	_ =	sdelay $0x1  }
0xa6: {  	s28 =	smulhi.u32 $0xAAAAAAAB, s16;
	s25 =	simm.s32 $0x1  }
0xa7: {  	s25 =	simm.s32 @!p0 $0x0  }
0xa8: {  	s28 =	sshrl.u32 s28, $0x1;
	s25 =	smul.u32 $0x7D00, s25  }
0xa9: {  	s28 =	smul.u32 $0xFFFE8900, s28;
	v4 =	vshift.insert v4, v1, s17  }
0xaa: {  	s29 =	sshrl.u32 s25, $0x2  }
0xab: {  	s28 =	sshra.s32 s28, $0x2;
	s25 =	sadd.s32 $0x9D40, s29;
	[tilespmem:s26+$0x10] =	vst.msk $0x1, v4  }
0xac: {  	s30 =	sadd.s32 s28, s15;
	v6 =	vld [tilespmem:s25+$0x0]  }
0xad: {  	v7 =	vld [tilespmem:s30+$0x0];
	_ =	sdelay $0x3  }
0xae: {  	v5 =	vadd.f32 v6, v5  }
0xaf: {  	vm4 =	vne.s32 v7, $0xFFFFFFFF  }
0xb0: {  	(xrf2) =	vadd.seg.scan.f32 vm4, v5;
	_ =	sdelay $0x3  }
0xb1: {  	s26 =	sadd.s32 $0x5EC0, s29;
	v5 =	vperm.xlane v4, v1  }
0xb2: {  	v6 =	vld [tilespmem:s26+$0x0]  }
0xb3: {  	vm5 =	veq.s32 v7, v3;
	vm6 =	veq.s32 v7, v5  }
0xb4: {  	vm7 =	vgt.u32 v7, $0xFFFFFFFD;
	vm6 =	vmor vm6, vm5  }
0xb5: {  	vm6 =	vmor vm6, vm7  }
0xb6: {  	v9 =	vld [tilespmem:$0xA0];
	v7 =	vsel vm6, $0xFFFFFFFF, v7  }
0xb7: {  	v10 =	vld [tilespmem:$0x90];
	v6 =	vsel vm5, $0x0, v6;
	v8, _, _ =	vpop (xrf2)  }
0xb8: {  	v6 =	vadd.f32 v8, v6  }
0xb9: {  	s28 =	sadd.s32 $0xDBC0, s29  }
0xba: {  	vm4 =	vmand vm4, vm3;
	[tilespmem:s28+$0x0] =	vst v6;
	(ifvalue) =	ssetifvalue $0xFFFFFFFF  }
0xbb: {  	vm6 =	veq.s32 v9, $0x1;
	[hbm4b:s1+s13] =	stream.indirect_vreg.scatter [tilespmem:s28], [sflag:$0x2], $0x1, v7, vm0, $0x4038;
	v7 =	vsel vm4, $0x0, v8;
	[tilespmem:$0x11A60] =	vst v63  }
0xbc: {  	s29 =	simm.s32 $0x0;
	s30 =	sadd.s32 $0x10, s30;
	vm4 =	vmor vm6, vm5;
	v6 =	vsel vm5, v8, v10;
	v7 =	vshift.insert v7, v0, s17  }
.LBB2_7:
0xbd: {  	v8 =	vld [tilespmem:s30+$0x0];
	s25 =	sadd.s32 $0x10, s25  }
0xbe: {  	s26 =	sadd.s32 $0x10, s26;
	v9 =	vld [tilespmem:s25+$0x0]  }
0xbf: {  	s29 =	sadd.s32 $0x10, s29;
	v10 =	vld [tilespmem:s26+$0x0]  }
0xc0: {  	p2 =	slt.u32 s29, $0x1F30;
	_ =	sdelay $0x2  }
0xc1: {  	v7 =	vadd.f32 v9, v7  }
0xc2: {  	vm5 =	vne.s32 v8, $0xFFFFFFFF  }
0xc3: {  	vm6 =	vmand vm5, vm3;
	(xrf2) =	vadd.seg.scan.f32 vm5, v7;
	_ =	sdelay $0x5  }
0xc4: {  	vm7 =	veq.s32 v8, v5;
	vm5 =	veq.s32 v8, v3  }
0xc5: {  	vm8 =	vgt.u32 v8, $0xFFFFFFFD;
	vm4 =	vmor vm4, vm5;
	vm7 =	vmor vm7, vm5  }
0xc6: {  	vm7 =	vmor vm7, vm8  }
0xc7: {  	v8 =	vsel vm7, $0xFFFFFFFF, v8  }
.Ltmp5:
0xc8: {  	v7 =	vsel vm5, $0x0, v10;
	v9, _, _ =	vpop (xrf2);
	(pc) =	sbr.rel @p2 .LBB2_7-.Ltmp5, $4  }
0xc9: {  	v6 =	vsel vm5, v9, v6;
	v10 =	vadd.f32 v9, v7;
	v7 =	vsel vm6, $0x0, v9  }
0xca: {  	s28 =	sadd.s32 $0x10, s28;
	v7 =	vshift.insert v7, v0, s17  }
0xcb: {  	s30 =	sadd.s32 $0x10, s30;
	[tilespmem:s28+$0x0] =	vst v10;
	(ifvalue) =	ssetifvalue $0xFFFFFFFF  }
0xcc: {  	[hbm4b:s1+s13] =	stream.indirect_vreg.scatter [tilespmem:s28], [sflag:$0x2], $0x1, v8, vm0, $0x4038;
	[tilespmem:$0x11A60] =	vst v63  }
.Ltmp6:
0xcd: {  	_ = 	snop;
	(pc) =	sbr.rel .LBB2_8-.Ltmp6, $1  }
0xce: {  	_ =	sdelay $0x3  }
.LBB2_10:
0xcf: {  	_ =	sfence.sel $0x180000  }
0xd0: {  	s2 =	simm.s32 $0x7;
	[bflag:$0x0] =	sbarrier.arrive $0xFFFF  }
0xd1: {  	s26 =	simm.s32 $0x8;
	[sflag:s2] =	ssyncpa.u1 $0x1  }
0xd2: {  	s28 =	simm.s32 $0x9;
	[sflag:s26] =	ssyncpa.u1 $0x1  }
0xd3: {  	[sflag:s28] =	ssyncpa.u1 $0x1  }
0xd4: {  	_ =	sfence.stream.spmem  }
0xd5: {  	s29 =	simm.s32 $0x3;
	[bflag:$0x0] =	sbarrier.arrive $0xFFFF  }
0xd6: {  	s30 =	simm.s32 $0x4;
	[sflag:s29] =	ssyncpa.u1 $0x1  }
0xd7: {  	s31 =	simm.s32 $0x3C;
	[sflag:s30] =	ssyncpa.u1 $0x1  }
0xd8: {  	p0 =	sne.s32 s3, $0x0;
	[sflag:s31] =	ssyncpa.u1 $0x1  }
0xd9: {  	s0 =	simm.s32 @p0 $0x1;
	_ =	sfence @p0  }
0xda: {  	[sflag:s0] =	ssyncpa.u1 @p0 $0x1;
	s0 =	simm.s32 @p0 $0x2  }
0xdb: {  	[sflag:s0] =	ssyncpa.u1 @p0 $0x1  }
0xdc: {  	_ =	strace @p0 $0x9000004A  }
0xdd: {  	[bflag:$0x2] =	sbarrier.arrive @p0 $0xFFFF  }
0xde: {  	_ =	shalt @p0  }
.LBB2_11:
0xdf: {  	_ =	sfence.stream.spmem;
	s4 =	simm.s32 $0x5  }
0xe0: {  	s2 =	simm.s32 $0x80;
	s3 =	simm.s32 $0xC0;
	[sflag:s4] =	ssyncpa.u1 $0x0  }
0xe1: {  	[tilespmem:s3], [sflag:$0x5] =	stream.linear.gather [spmem:s2], $0x20, $0x38;
	[tilespmem:$0x11A60] =	vst v63  }
0xe2: {  	s2 =	simm.s32 $0x0;
	s3 =	simm.s32 $0xE0  }
0xe3: {  	[tilespmem:s3], [sflag:$0x5] =	stream.linear.gather [spmem:s2], $0x20, $0x38;
	[tilespmem:$0x11A60] =	vst v63  }
.Ltmp7:
0xe4: {  	_ = 	snop;
	(pc) =	sbr.rel .LBB2_12-.Ltmp7, $4  }
0xe5: {  	_ =	swait.ge [sflag:s4], $0x40  }
0xe6: {  	[sflag:s4] =	ssyncset.done $0x0  }
0xe7: {  	s31 =	simm.s32 $0x6;
	[sflag:s4] =	ssyncadd.s32 $0xFFFFFFC0  }
0xe8: {  	s4 =	simm.s32 $0x0;
	[sflag:s31] =	ssyncpa.u1 $0x0  }
.LBB2_17:
0xe9: {  	p0 =	sgt.u32 s5, $0x7F  }
0xea: {  	s6 =	sshrl.u32 @!p0 s5, $0x3  }
0xeb: {  	s5 =	sand.u32 @!p0 $0x7, s5;
	s7 =	simm.s32 @!p0 $0xB0;
	s6 =	sadd.s32 @!p0 s1, s6  }
0xec: {  	[tilespmem:s7], [sflag:$0x6] =	stream.linear.gather @!p0 [hbm4b:s6+s5], $0x1, $0x38;
	[tilespmem:$0x11A60] =	vst v63  }
0xed: {  	s5 =	simm.s32 @!p0 $0x6  }
0xee: {  	_ =	swait.ge @!p0 [sflag:s5], $0x1  }
0xef: {  	[sflag:s5] =	ssyncset.done @!p0 $0x0  }
0xf0: {  	[sflag:s5] =	ssyncadd.s32 @!p0 $0xFFFFFFFF  }
0xf1: {  	v2 =	vmov @!p0 s4;
	v1 =	vld.msk @!p0 [tilespmem:$0xB0], $0x1;
	_ =	sdelay $0x3  }
0xf2: {  	s5 =	simm.s32 @!p0 $0xE0  }
0xf3: {  	[tilespmem:v2+s5+$0x0], v1 =	vst.idx.ret.add.f32.msk @!p0 $0x1, v1  }
0xf4: {  	[tilespmem:s2+$0xC0] =	vst.msk $0x1, v0  }
0xf5: {  	v0 =	vld.msk [tilespmem:s4+$0xE0], $0x1;
	_ =	sdelay $0x4  }
0xf6: {  	[tilespmem:s2+$0xE0] =	vst.msk $0x1, v0;
	s2 =	sadd.s32 $0x1, s2  }
.LBB2_19:
0xf7: {  	s4 =	sadd.s32 $0x1, s4  }
0xf8: {  	p0 =	sne.s32 s4, $0x20  }
.Ltmp8:
0xf9: {  	_ = 	snop;
	(pc) =	sbr.rel @!p0 .LBB2_20-.Ltmp8, $1  }
0xfa: {  	_ =	sdelay $0x3  }
.LBB2_12:
0xfb: {  	v0 =	vld.msk [tilespmem:s4+$0xC0], $0x1;
	_ =	sdelay $0x4  }
0xfc: {  	(v2sf) =	vpush v0, $0x0;
	_ =	sdelay $0xe  }
0xfd: {  	s5 =	spop (v2sf)  }
0xfe: {  	p0 =	seq.s32 s5, $0xFFFFFFFF  }
.Ltmp9:
0xff: {  	_ = 	snop;
	(pc) =	sbr.rel @p0 .LBB2_19-.Ltmp9, $1  }
0x100: {  	_ =	sdelay $0x3  }
0x101: {  	p0 =	slt.s32 s2, $0x1  }
.Ltmp10:
0x102: {  	_ = 	snop;
	(pc) =	sbr.rel @p0 .LBB2_17-.Ltmp10, $1  }
0x103: {  	_ =	sdelay $0x3  }
0x104: {  	s6 =	simm.s32 $0xC0;
	p0 =	por $0x0, $0x0  }
0x105: {  	v1 =	vld.msk @!p0 [tilespmem:s6+$0x0], $0x1;
	_ =	sdelay $0x4  }
0x106: {  	(v2sf) =	vpush @!p0 v1, $0x0;
	_ =	sdelay $0xd  }
0x107: {  	p2 =	sne.s32 s2, $0x1  }
.Ltmp11:
0x108: {  	s7 =	spop @!p0 (v2sf);
	(pc) =	sbr.rel @!p2 .LBB2_16-.Ltmp11, $4  }
0x109: {  	p1 =	seq.s32 @!p0 s5, s7  }
0x10a: {  	s7 =	simm.s32 $0x0;
	p1 =	por !p1, p0  }
0x10b: {  	s9 =	simm.s32 $0xFFFFFFFF;
	s7 =	simm.s32 @p1 $0xFFFFFFFF  }
0x10c: {  	s8 =	simm.s32 $0x1;
	s7 =	smov.u32 @p0 s9  }
.LBB2_15:
0x10d: {  	s9 =	smov.u32 s7;
	p0 =	sne.s32 s7, $0xFFFFFFFF  }
0x10e: {  	s6 =	sadd.s32 $0x1, s6;
	s7 =	smov.u32 s8;
	s8 =	sadd.s32 $0x1, s8  }
0x10f: {  	p1 =	sne.s32 s2, s8;
	v1 =	vld.msk @!p0 [tilespmem:s6+$0x0], $0x1;
	_ =	sdelay $0x4  }
0x110: {  	(v2sf) =	vpush @!p0 v1, $0x0;
	_ =	sdelay $0xe  }
.Ltmp12:
0x111: {  	s10 =	spop @!p0 (v2sf);
	(pc) =	sbr.rel @p1 .LBB2_15-.Ltmp12, $4  }
0x112: {  	p2 =	seq.s32 @!p0 s5, s10  }
0x113: {  	p2 =	por !p2, p0  }
0x114: {  	s7 =	simm.s32 @p2 $0xFFFFFFFF  }
0x115: {  	s7 =	smov.u32 @p0 s9  }
.LBB2_16:
0x116: {  	p0 =	sne.s32 s7, $0xFFFFFFFF  }
.Ltmp13:
0x117: {  	_ = 	snop;
	(pc) =	sbr.rel @!p0 .LBB2_17-.Ltmp13, $1  }
0x118: {  	_ =	sdelay $0x3  }
0x119: {  	v0 =	vld.msk [tilespmem:s4+$0xE0], $0x1;
	v1 =	vmov s7  }
.Ltmp14:
0x11a: {  	_ = 	snop;
	(pc) =	sbr.rel .LBB2_19-.Ltmp14, $2  }
0x11b: {  	_ =	sdelay $0x2  }
0x11c: {  	[tilespmem:v1+s3+$0x0], v0 =	vst.idx.ret.add.f32.msk $0x1, v0  }
.LBB2_20:
0x11d: {  	p0 =	slt.s32 s2, $0x1  }
.Ltmp15:
0x11e: {  	_ = 	snop;
	(pc) =	sbr.rel @p0 .LBB2_24-.Ltmp15, $3  }
0x11f: {  	_ =	sdelay $0x1  }
0x120: {  	s3 =	simm.s32 $0x6  }
0x121: {  	[sflag:s3] =	ssyncpa.u1 $0x1;
	s3 =	simm.s32 $0x0  }
0x122: {  	s4 =	simm.s32 $0xC0  }
0x123: {  	v0 =	vld.msk [tilespmem:s4+$0x0], $0x1;
	_ =	sdelay $0x4  }
0x124: {  	(v2sf) =	vpush v0, $0x0;
	_ =	sdelay $0xe  }
0x125: {  	s2 =	sadd.s32 $0xFFFFFFFF, s2;
	s5 =	spop (v2sf)  }
0x126: {  	p1 =	sne.s32 s2, $0x0;
	p0 =	sgt.u32 s5, $0x7F  }
.Ltmp16:
0x127: {  	s6 =	sshrl.u32 @!p0 s5, $0x3;
	(pc) =	sbr.rel @!p1 .LBB2_23-.Ltmp16, $4  }
0x128: {  	s4 =	simm.s32 $0xE0;
	s5 =	sand.u32 @!p0 $0x7, s5;
	s6 =	sadd.s32 @!p0 s1, s6  }
0x129: {  	[hbm4b:s6+s5] =	stream.linear.scatter @!p0 [tilespmem:s4], [sflag:$0x5], $0x1, $0x38;
	[tilespmem:$0x11A60] =	vst v63  }
0x12a: {  	s6 =	simm.s32 $0x0  }
0x12b: {  	s5 =	simm.s32 $0xC1;
	s6 =	simm.s32 @!p0 $0x4  }
.LBB2_22:
0x12c: {  	v0 =	vld.msk [tilespmem:s5+$0x0], $0x1;
	s2 =	sadd.s32 $0xFFFFFFFF, s2;
	s3 =	sadd.s32 s3, s6  }
0x12d: {  	p0 =	sne.s32 s2, $0x0;
	_ =	sdelay $0x3  }
0x12e: {  	(v2sf) =	vpush v0, $0x0;
	_ =	sdelay $0xe  }
.Ltmp17:
0x12f: {  	s7 =	spop (v2sf);
	(pc) =	sbr.rel @p0 .LBB2_22-.Ltmp17, $4  }
0x130: {  	s6 =	simm.s32 $0x0;
	p1 =	sgt.u32 s7, $0x7F  }
0x131: {  	s4 =	sadd.s32 $0x1, s4;
	s6 =	simm.s32 @!p1 $0x4;
	s8 =	sshrl.u32 @!p1 s7, $0x3  }
0x132: {  	s5 =	sadd.s32 $0x1, s5;
	s7 =	sand.u32 @!p1 $0x7, s7;
	s8 =	sadd.s32 @!p1 s1, s8  }
0x133: {  	[hbm4b:s8+s7] =	stream.linear.scatter @!p1 [tilespmem:s4], [sflag:$0x5], $0x1, $0x38;
	[tilespmem:$0x11A60] =	vst v63  }
.LBB2_23:
0x134: {  	s1 =	sadd.s32 s3, s6  }
0x135: {  	s3 =	sshrl.u32 s1, $0x2  }
.LBB2_24:
0x136: {  	s1 =	simm.s32 $0x5  }
0x137: {  	_ =	swait.ge [sflag:s1], s3  }
0x138: {  	s2 =	ssub.s32 $0x0, s3;
	[sflag:s1] =	ssyncset.done $0x0  }
0x139: {  	[sflag:s1] =	ssyncadd.s32 s2  }
0x13a: {  	[sflag:s1] =	ssyncpa.u1 $0x1  }
0x13b: {  	s30 =	simm.s32 $0x1;
	_ =	sfence  }
0x13c: {  	s31 =	simm.s32 $0x2;
	[sflag:s30] =	ssyncpa.u1 $0x1  }
0x13d: {  	[sflag:s31] =	ssyncpa.u1 $0x1  }
0x13e: {  	_ =	strace $0x9000004A  }
0x13f: {  	s0 =	sadd.s32 $0x100000, s0;
	[bflag:$0x2] =	sbarrier.arrive $0xFFFF  }
0x140: {  	[sflag:s0] =	ssyncadd.tile.s32 $0x1;
	_ =	shalt  }
.Lfunc_end2:
_tile_overlayer_lowered:
.L_overlay_start_2:
0x141: {  	(tag) =	ssettag $0x2  }
0x142: {  	s0 =	rddreg [dreg:$0x0];
	s2 =	stileid.u32  }
0x143: {  	s1 =	rddreg [dreg:$0x1];
	p0 =	sne.s32 s2, $0x0  }
0x144: {  	s3 =	rddreg [dreg:$0x2];
	[bflag:$0x3] =	sbarrier.arrive $0xFFFF;
	s2 =	simm.s32 @!p0 $0x1C01  }
0x145: {  	[timem:s3], [sflag:s2] =	dma.local @!p0 [hbm:s0], s1  }
0x146: {  	s0 =	simm.s32 @!p0 $0x1  }
0x147: {  	_ =	swait.ge @!p0 [sflag:s0], s1  }
0x148: {  	s1 =	ssub.s32 @!p0 $0x0, s1;
	[sflag:s0] =	ssyncset.done @!p0 $0x0  }
0x149: {  	[sflag:s0] =	ssyncadd.s32 @!p0 s1  }
0x14a: {  	[bflag:$0x3] =	sbarrier.arrive $0xFFFF  }
0x14b: {  	_ =	shalt  }

</sc_bundles>
